<compile_context>
chip_gen: v7x
topology: tpu7x:2x2x1
jax: 0.10.2.dev20260603
libtpu: 0.0.44.dev20260713+nightly
codegen_flags: <defaults>
</compile_context>

<pallas_src>
import functools

import jax
import jax.numpy as jnp
from jax import lax
from jax.experimental import pallas as pl
from jax.experimental.pallas import tpu as pltpu
from jax.experimental.pallas import tpu_sc as plsc

BATCH = 16384
MF_DIM = 64
MLP_IN_HALF = 128
H0 = 128
H1 = 64

NC, NS = 2, 16
NW = NC * NS
B_PER_W = BATCH // NW
HALF = B_PER_W // 2

PACK_ROWS = 2000


def _pack_body(x_ref, o_ref):
    o_ref[...] = jnp.concatenate([x_ref[0], x_ref[1]], axis=1)


def _pack(table):
    n = table.shape[0]
    half_blocks = (n // 2) // PACK_ROWS
    tv = table.reshape(2, n // 2, MF_DIM)
    return pl.pallas_call(
        _pack_body,
        grid=(half_blocks,),
        in_specs=[pl.BlockSpec((2, PACK_ROWS, MF_DIM), lambda i: (0, i, 0))],
        out_specs=pl.BlockSpec((PACK_ROWS, 2 * MF_DIM), lambda i: (i, 0)),
        out_shape=jax.ShapeDtypeStruct((n // 2, 2 * MF_DIM), jnp.float32),
    )(tv)


def _packed_lookup(idx, n):
    half = idx >= (n // 2)
    gidx = jnp.where(half, idx - n // 2, idx)
    return gidx, half.astype(jnp.float32).reshape(BATCH, 1)


def _gather_all(gmf_user_p, gmf_item_p, mlp_user, mlp_item,
                gmf_uidx, gmf_iidx, user_idxs, item_idxs):
    mesh = plsc.VectorSubcoreMesh(core_axis_name="c", subcore_axis_name="s")
    row_t = jax.ShapeDtypeStruct((BATCH, 128), jnp.float32)

    @functools.partial(
        pl.kernel,
        mesh=mesh,
        out_type=[row_t, row_t, row_t, row_t],
        scratch_types=[
            pltpu.VMEM((B_PER_W,), jnp.int32),
            pltpu.VMEM((B_PER_W,), jnp.int32),
            pltpu.VMEM((B_PER_W,), jnp.int32),
            pltpu.VMEM((B_PER_W,), jnp.int32),
            pltpu.VMEM((HALF, 128), jnp.float32),
            pltpu.VMEM((HALF, 128), jnp.float32),
            pltpu.SemaphoreType.DMA,
            pltpu.SemaphoreType.DMA,
        ],
    )
    def k(gu_hbm, gi_hbm, mu_hbm, mi_hbm,
          guidx_hbm, giidx_hbm, uidx_hbm, iidx_hbm,
          out_gu, out_gi, out_mu, out_mi,
          guidx_v, giidx_v, uidx_v, iidx_v, buf_a, buf_b, sa, sb):
        wid = lax.axis_index("s") * NC + lax.axis_index("c")
        base = wid * B_PER_W
        sl = pl.ds(base, B_PER_W)
        pltpu.sync_copy(guidx_hbm.at[sl], guidx_v)
        pltpu.sync_copy(giidx_hbm.at[sl], giidx_v)
        pltpu.sync_copy(uidx_hbm.at[sl], uidx_v)
        pltpu.sync_copy(iidx_hbm.at[sl], iidx_v)

        jobs = (
            (gu_hbm, guidx_v, out_gu),
            (gi_hbm, giidx_v, out_gi),
            (mu_hbm, uidx_v, out_mu),
            (mi_hbm, iidx_v, out_mi),
        )
        pend = []
        for tbl, idx_v, out in jobs:
            for c in (0, 1):
                buf, sem = (buf_a, sa) if c == 0 else (buf_b, sb)
                if len(pend) >= 2:
                    cpy, pbuf, pout, poff = pend.pop(0)
                    cpy.wait()
                    pltpu.sync_copy(pbuf, pout.at[pl.ds(poff, HALF)])
                cg = pltpu.async_copy(
                    tbl.at[idx_v.at[pl.ds(c * HALF, HALF)]], buf, sem)
                pend.append((cg, buf, out, base + c * HALF))
        for cpy, pbuf, pout, poff in pend:
            cpy.wait()
            pltpu.sync_copy(pbuf, pout.at[pl.ds(poff, HALF)])

    return k(gmf_user_p, gmf_item_p, mlp_user, mlp_item,
             gmf_uidx, gmf_iidx, user_idxs, item_idxs)


BT = 2048


def _head_body(gup_ref, gip_ref, mu_ref, mi_ref, pu_ref, pi_ref,
               w0u_ref, w0i_ref, b0_ref, w1_ref, b1_ref,
               wfg_ref, wfm_ref, bf_ref, out_ref):
    h0 = jnp.dot(mu_ref[...], w0u_ref[...], preferred_element_type=jnp.float32)
    h0 += jnp.dot(mi_ref[...], w0i_ref[...], preferred_element_type=jnp.float32)
    h0 = jnp.maximum(h0 + b0_ref[...], 0.0)
    h1 = jnp.dot(h0, w1_ref[...], preferred_element_type=jnp.float32)
    h1 = jnp.maximum(h1 + b1_ref[...], 0.0)
    pu = pu_ref[...]
    pi = pi_ref[...]
    gup = gup_ref[...]
    gip = gip_ref[...]
    gu = gup[:, :MF_DIM] + pu * (gup[:, MF_DIM:] - gup[:, :MF_DIM])
    gi = gip[:, :MF_DIM] + pi * (gip[:, MF_DIM:] - gip[:, :MF_DIM])
    gmf = gu * gi
    logit = jnp.sum(gmf * wfg_ref[...], axis=1) + jnp.sum(h1 * wfm_ref[...], axis=1)
    out_ref[...] = jax.nn.sigmoid(logit + bf_ref[0])


def _dense_head(gup, gip, mu, mi, pu, pi, W0, b0, W1, b1, Wf, bf):
    w0u = W0[:, :MLP_IN_HALF].T
    w0i = W0[:, MLP_IN_HALF:].T
    w1 = W1.T
    wfg = Wf[0, :MF_DIM].reshape(1, MF_DIM)
    wfm = Wf[0, MF_DIM:].reshape(1, H1)
    b0r = b0.reshape(1, H0)
    b1r = b1.reshape(1, H1)

    grid = (BATCH // BT,)
    full = lambda shape: pl.BlockSpec(shape, lambda i: (0,) * len(shape))
    return pl.pallas_call(
        _head_body,
        grid=grid,
        in_specs=[
            pl.BlockSpec((BT, 128), lambda i: (i, 0)),
            pl.BlockSpec((BT, 128), lambda i: (i, 0)),
            pl.BlockSpec((BT, MLP_IN_HALF), lambda i: (i, 0)),
            pl.BlockSpec((BT, MLP_IN_HALF), lambda i: (i, 0)),
            pl.BlockSpec((BT, 1), lambda i: (i, 0)),
            pl.BlockSpec((BT, 1), lambda i: (i, 0)),
            full((MLP_IN_HALF, H0)),
            full((MLP_IN_HALF, H0)),
            full((1, H0)),
            full((H0, H1)),
            full((1, H1)),
            full((1, MF_DIM)),
            full((1, H1)),
            full((1,)),
        ],
        out_specs=pl.BlockSpec((BT,), lambda i: (i,)),
        out_shape=jax.ShapeDtypeStruct((BATCH,), jnp.float32),
    )(gup, gip, mu, mi, pu, pi, w0u, w0i, b0r, w1, b1r, wfg, wfm, bf)


def kernel(user_idxs, item_idxs, gmf_user, gmf_item, mlp_user, mlp_item,
           W0, b0, W1, b1, Wf, bf):
    gmf_user_p = _pack(gmf_user)
    gmf_item_p = _pack(gmf_item)
    gmf_uidx, pu = _packed_lookup(user_idxs, gmf_user.shape[0])
    gmf_iidx, pi = _packed_lookup(item_idxs, gmf_item.shape[0])

    gup, gip, mu, mi = _gather_all(gmf_user_p, gmf_item_p, mlp_user, mlp_item,
                                   gmf_uidx, gmf_iidx, user_idxs, item_idxs)
    return _dense_head(gup, gip, mu, mi, pu, pi, W0, b0, W1, b1, Wf, bf)

# --- scband reference (transcript-rebuilt; emitter-appended) ---
"""Pipeline reference for scband-ncf-53008486367621 (READ-ONLY COPY).

The authoritative reference and input builder live on the scoring server;
editing this copy changes nothing except your own understanding.
"""

import jax, jax.numpy as jnp
import numpy as np

NUM_USERS = 1000000
NUM_ITEMS = 100000
MF_DIM = 64
MLP_LAYERS = [256, 128, 64]
BATCH = 16384


def setup_inputs(seed: int = 0) -> dict:
    key = jax.random.key(seed)
    ks = jax.random.split(key, 12)
    user_idxs = jax.random.randint(ks[0], (BATCH,), 0, NUM_USERS, dtype=jnp.int64 if jax.config.jax_enable_x64 else jnp.int32)
    item_idxs = jax.random.randint(ks[1], (BATCH,), 0, NUM_ITEMS, dtype=jnp.int64 if jax.config.jax_enable_x64 else jnp.int32)
    gmf_user = jax.random.normal(ks[2], (NUM_USERS, MF_DIM), dtype=jnp.float32) * 0.05
    gmf_item = jax.random.normal(ks[3], (NUM_ITEMS, MF_DIM), dtype=jnp.float32) * 0.05
    mlp_user = jax.random.normal(ks[4], (NUM_USERS, MLP_LAYERS[0] // 2), dtype=jnp.float32) * 0.05
    mlp_item = jax.random.normal(ks[5], (NUM_ITEMS, MLP_LAYERS[0] // 2), dtype=jnp.float32) * 0.05
    W0 = jax.random.normal(ks[6], (MLP_LAYERS[1], MLP_LAYERS[0]), dtype=jnp.float32) * (1.0 / np.sqrt(MLP_LAYERS[0]))
    b0 = jnp.zeros((MLP_LAYERS[1],), dtype=jnp.float32)
    W1 = jax.random.normal(ks[7], (MLP_LAYERS[2], MLP_LAYERS[1]), dtype=jnp.float32) * (1.0 / np.sqrt(MLP_LAYERS[1]))
    b1 = jnp.zeros((MLP_LAYERS[2],), dtype=jnp.float32)
    Wf = jax.random.normal(ks[8], (1, MF_DIM + MLP_LAYERS[-1]), dtype=jnp.float32) * (1.0 / np.sqrt(MF_DIM + MLP_LAYERS[-1]))
    bf = jnp.zeros((1,), dtype=jnp.float32)
    return {
        "user_idxs": user_idxs,
        "item_idxs": item_idxs,
        "gmf_user": gmf_user,
        "gmf_item": gmf_item,
        "mlp_user": mlp_user,
        "mlp_item": mlp_item,
        "W0": W0, "b0": b0,
        "W1": W1, "b1": b1,
        "Wf": Wf, "bf": bf,
    }


def reference(user_idxs, item_idxs, gmf_user, gmf_item, mlp_user, mlp_item, W0, b0, W1, b1, Wf, bf):
    gmf_user_emb = jnp.take(gmf_user, user_idxs, axis=0)
    gmf_item_emb = jnp.take(gmf_item, item_idxs, axis=0)
    mlp_user_emb = jnp.take(mlp_user, user_idxs, axis=0)
    mlp_item_emb = jnp.take(mlp_item, item_idxs, axis=0)
    gmf_x = gmf_user_emb * gmf_item_emb
    mlp_x = jnp.concatenate([mlp_user_emb, mlp_item_emb], axis=-1)
    mlp_x = jax.nn.relu(mlp_x @ W0.T + b0)
    mlp_x = jax.nn.relu(mlp_x @ W1.T + b1)
    x = jnp.concatenate([gmf_x, mlp_x], axis=-1)
    logits = x @ Wf.T + bf
    preds = jax.nn.sigmoid(logits)
    return preds.reshape(-1)

if __name__ == "__main__":
    import jax
    _d = setup_inputs()
    print(jax.jit(kernel)(*tuple(_d.values())))

</pallas_src>

<mosaic_0001>
#map = affine_map<(d0, d1) -> (0, 0)>
#map1 = affine_map<(d0, d1) -> (0)>
module attributes {stable_mosaic.version = 14 : i64} {
  func.func @k(%arg0: i32, %arg1: i32, %arg2: memref<500000x128xf32, #tpu.memory_space<hbm>>, %arg3: memref<50000x128xf32, #tpu.memory_space<hbm>>, %arg4: memref<1000000x128xf32, #tpu.memory_space<hbm>>, %arg5: memref<100000x128xf32, #tpu.memory_space<hbm>>, %arg6: memref<16384xi32, #tpu.memory_space<hbm>>, %arg7: memref<16384xi32, #tpu.memory_space<hbm>>, %arg8: memref<16384xi32, #tpu.memory_space<hbm>>, %arg9: memref<16384xi32, #tpu.memory_space<hbm>>, %arg10: memref<16384x128xf32, #tpu.memory_space<hbm>>, %arg11: memref<16384x128xf32, #tpu.memory_space<hbm>>, %arg12: memref<16384x128xf32, #tpu.memory_space<hbm>>, %arg13: memref<16384x128xf32, #tpu.memory_space<hbm>>, %arg14: memref<512xi32, #tpu.memory_space<vmem>>, %arg15: memref<512xi32, #tpu.memory_space<vmem>>, %arg16: memref<512xi32, #tpu.memory_space<vmem>>, %arg17: memref<512xi32, #tpu.memory_space<vmem>>, %arg18: memref<256x128xf32, #tpu.memory_space<vmem>>, %arg19: memref<256x128xf32, #tpu.memory_space<vmem>>, %arg20: memref<!tpu.dma_semaphore, #tpu.memory_space<semaphore_mem>>, %arg21: memref<!tpu.dma_semaphore, #tpu.memory_space<semaphore_mem>>) attributes {dimension_semantics = [#tpu.dimension_semantics<core_parallel>, #tpu.dimension_semantics<subcore_parallel>], iteration_bounds = array<i64: 2, 16>, scalar_prefetch = 0 : i64, scratch_operands = 8 : i64, tpu.core_type = #tpu.core_type<sc_vector_subcore>, window_params = [{transform_indices = #map}, {transform_indices = #map}, {transform_indices = #map}, {transform_indices = #map}, {transform_indices = #map1}, {transform_indices = #map1}, {transform_indices = #map1}, {transform_indices = #map1}, {transform_indices = #map}, {transform_indices = #map}, {transform_indices = #map}, {transform_indices = #map}]} {
    %mul3A = arith.constant 2 : i32
    %mul3A_0 = arith.muli %arg1, %mul3A : i32
    %add3A = arith.addi %mul3A_0, %arg0 : i32
    %mul3A_1 = arith.constant 512 : i32
    %mul3A_2 = arith.muli %add3A, %mul3A_1 : i32
    "tpu.region"() ({
      %run_scoped3A = tpu.sem_alloc : memref<!tpu.dma_semaphore, #tpu.memory_space<semaphore_mem>>
      %dma_start3A_97 = tpu.memref_slice %arg6[%mul3A_2] : memref<16384xi32, #tpu.memory_space<hbm>> -> memref<512xi32, #tpu.memory_space<hbm>>
      %dma_start3A_98 = tpu.memref_slice %arg6[%mul3A_2] : memref<16384xi32, #tpu.memory_space<hbm>> -> memref<512xi32, #tpu.memory_space<hbm>>
      tpu.enqueue_dma source(%dma_start3A_98 : memref<512xi32, #tpu.memory_space<hbm>>) target(%arg14 : memref<512xi32, #tpu.memory_space<vmem>>) target_semaphore(%run_scoped3A : memref<!tpu.dma_semaphore, #tpu.memory_space<semaphore_mem>>)
      %dma_wait3A_99 = tpu.memref_slice %arg6[%mul3A_2] : memref<16384xi32, #tpu.memory_space<hbm>> -> memref<512xi32, #tpu.memory_space<hbm>>
      %dma_wait3A_100 = tpu.memref_slice %arg6[%mul3A_2] : memref<16384xi32, #tpu.memory_space<hbm>> -> memref<512xi32, #tpu.memory_space<hbm>>
      tpu.wait_dma2 semaphore(%run_scoped3A : memref<!tpu.dma_semaphore, #tpu.memory_space<semaphore_mem>>) src(%dma_wait3A_100 : memref<512xi32, #tpu.memory_space<hbm>>) dst(%arg14 : memref<512xi32, #tpu.memory_space<vmem>>)
      tpu.yield
    }) : () -> ()
    "tpu.region"() ({
      %run_scoped3A = tpu.sem_alloc : memref<!tpu.dma_semaphore, #tpu.memory_space<semaphore_mem>>
      %dma_start3A_97 = tpu.memref_slice %arg7[%mul3A_2] : memref<16384xi32, #tpu.memory_space<hbm>> -> memref<512xi32, #tpu.memory_space<hbm>>
      %dma_start3A_98 = tpu.memref_slice %arg7[%mul3A_2] : memref<16384xi32, #tpu.memory_space<hbm>> -> memref<512xi32, #tpu.memory_space<hbm>>
      tpu.enqueue_dma source(%dma_start3A_98 : memref<512xi32, #tpu.memory_space<hbm>>) target(%arg15 : memref<512xi32, #tpu.memory_space<vmem>>) target_semaphore(%run_scoped3A : memref<!tpu.dma_semaphore, #tpu.memory_space<semaphore_mem>>)
      %dma_wait3A_99 = tpu.memref_slice %arg7[%mul3A_2] : memref<16384xi32, #tpu.memory_space<hbm>> -> memref<512xi32, #tpu.memory_space<hbm>>
      %dma_wait3A_100 = tpu.memref_slice %arg7[%mul3A_2] : memref<16384xi32, #tpu.memory_space<hbm>> -> memref<512xi32, #tpu.memory_space<hbm>>
      tpu.wait_dma2 semaphore(%run_scoped3A : memref<!tpu.dma_semaphore, #tpu.memory_space<semaphore_mem>>) src(%dma_wait3A_100 : memref<512xi32, #tpu.memory_space<hbm>>) dst(%arg15 : memref<512xi32, #tpu.memory_space<vmem>>)
      tpu.yield
    }) : () -> ()
    "tpu.region"() ({
      %run_scoped3A = tpu.sem_alloc : memref<!tpu.dma_semaphore, #tpu.memory_space<semaphore_mem>>
      %dma_start3A_97 = tpu.memref_slice %arg8[%mul3A_2] : memref<16384xi32, #tpu.memory_space<hbm>> -> memref<512xi32, #tpu.memory_space<hbm>>
      %dma_start3A_98 = tpu.memref_slice %arg8[%mul3A_2] : memref<16384xi32, #tpu.memory_space<hbm>> -> memref<512xi32, #tpu.memory_space<hbm>>
      tpu.enqueue_dma source(%dma_start3A_98 : memref<512xi32, #tpu.memory_space<hbm>>) target(%arg16 : memref<512xi32, #tpu.memory_space<vmem>>) target_semaphore(%run_scoped3A : memref<!tpu.dma_semaphore, #tpu.memory_space<semaphore_mem>>)
      %dma_wait3A_99 = tpu.memref_slice %arg8[%mul3A_2] : memref<16384xi32, #tpu.memory_space<hbm>> -> memref<512xi32, #tpu.memory_space<hbm>>
      %dma_wait3A_100 = tpu.memref_slice %arg8[%mul3A_2] : memref<16384xi32, #tpu.memory_space<hbm>> -> memref<512xi32, #tpu.memory_space<hbm>>
      tpu.wait_dma2 semaphore(%run_scoped3A : memref<!tpu.dma_semaphore, #tpu.memory_space<semaphore_mem>>) src(%dma_wait3A_100 : memref<512xi32, #tpu.memory_space<hbm>>) dst(%arg16 : memref<512xi32, #tpu.memory_space<vmem>>)
      tpu.yield
    }) : () -> ()
    "tpu.region"() ({
      %run_scoped3A = tpu.sem_alloc : memref<!tpu.dma_semaphore, #tpu.memory_space<semaphore_mem>>
      %dma_start3A_97 = tpu.memref_slice %arg9[%mul3A_2] : memref<16384xi32, #tpu.memory_space<hbm>> -> memref<512xi32, #tpu.memory_space<hbm>>
      %dma_start3A_98 = tpu.memref_slice %arg9[%mul3A_2] : memref<16384xi32, #tpu.memory_space<hbm>> -> memref<512xi32, #tpu.memory_space<hbm>>
      tpu.enqueue_dma source(%dma_start3A_98 : memref<512xi32, #tpu.memory_space<hbm>>) target(%arg17 : memref<512xi32, #tpu.memory_space<vmem>>) target_semaphore(%run_scoped3A : memref<!tpu.dma_semaphore, #tpu.memory_space<semaphore_mem>>)
      %dma_wait3A_99 = tpu.memref_slice %arg9[%mul3A_2] : memref<16384xi32, #tpu.memory_space<hbm>> -> memref<512xi32, #tpu.memory_space<hbm>>
      %dma_wait3A_100 = tpu.memref_slice %arg9[%mul3A_2] : memref<16384xi32, #tpu.memory_space<hbm>> -> memref<512xi32, #tpu.memory_space<hbm>>
      tpu.wait_dma2 semaphore(%run_scoped3A : memref<!tpu.dma_semaphore, #tpu.memory_space<semaphore_mem>>) src(%dma_wait3A_100 : memref<512xi32, #tpu.memory_space<hbm>>) dst(%arg17 : memref<512xi32, #tpu.memory_space<vmem>>)
      tpu.yield
    }) : () -> ()
    %dma_start3A = arith.constant 0 : i32
    %dma_start3A_3 = tpu.memref_slice %arg14[%dma_start3A] : memref<512xi32, #tpu.memory_space<vmem>> -> memref<256xi32, #tpu.memory_space<vmem>>
    %dma_start3A_4 = arith.constant 0 : i32
    %dma_start3A_5 = arith.constant 0 : i32
    %dma_start3A_6 = tpu.memref_slice %arg2[%dma_start3A_4, %dma_start3A_5] : memref<500000x128xf32, #tpu.memory_space<hbm>> -> memref<500000x128xf32, #tpu.memory_space<hbm>>
    tpu.enqueue_indirect_dma source(%dma_start3A_6 : memref<500000x128xf32, #tpu.memory_space<hbm>>) target(%arg18 : memref<256x128xf32, #tpu.memory_space<vmem>>) offsets(%dma_start3A_3 : memref<256xi32, #tpu.memory_space<vmem>>) semaphore(%arg20 : memref<!tpu.dma_semaphore, #tpu.memory_space<semaphore_mem>>)
    %add3A_7 = arith.constant 0 : i32
    %add3A_8 = arith.addi %mul3A_2, %add3A_7 : i32
    %dma_start3A_9 = arith.constant 256 : i32
    %dma_start3A_10 = tpu.memref_slice %arg14[%dma_start3A_9] : memref<512xi32, #tpu.memory_space<vmem>> -> memref<256xi32, #tpu.memory_space<vmem>>
    %dma_start3A_11 = arith.constant 0 : i32
    %dma_start3A_12 = arith.constant 0 : i32
    %dma_start3A_13 = tpu.memref_slice %arg2[%dma_start3A_11, %dma_start3A_12] : memref<500000x128xf32, #tpu.memory_space<hbm>> -> memref<500000x128xf32, #tpu.memory_space<hbm>>
    tpu.enqueue_indirect_dma source(%dma_start3A_13 : memref<500000x128xf32, #tpu.memory_space<hbm>>) target(%arg19 : memref<256x128xf32, #tpu.memory_space<vmem>>) offsets(%dma_start3A_10 : memref<256xi32, #tpu.memory_space<vmem>>) semaphore(%arg21 : memref<!tpu.dma_semaphore, #tpu.memory_space<semaphore_mem>>)
    %add3A_14 = arith.constant 256 : i32
    %add3A_15 = arith.addi %mul3A_2, %add3A_14 : i32
    %dma_wait3A = arith.constant 0 : i32
    %dma_wait3A_16 = tpu.memref_slice %arg14[%dma_wait3A] : memref<512xi32, #tpu.memory_space<vmem>> -> memref<256xi32, #tpu.memory_space<vmem>>
    %dma_wait3A_17 = arith.constant 0 : i32
    %dma_wait3A_18 = arith.constant 0 : i32
    %dma_wait3A_19 = tpu.memref_slice %arg2[%dma_wait3A_17, %dma_wait3A_18] : memref<500000x128xf32, #tpu.memory_space<hbm>> -> memref<500000x128xf32, #tpu.memory_space<hbm>>
    tpu.wait_indirect_dma semaphore(%arg20 : memref<!tpu.dma_semaphore, #tpu.memory_space<semaphore_mem>>) src(%dma_wait3A_19 : memref<500000x128xf32, #tpu.memory_space<hbm>>) dst(%arg18 : memref<256x128xf32, #tpu.memory_space<vmem>>)
    "tpu.region"() ({
      %run_scoped3A = tpu.sem_alloc : memref<!tpu.dma_semaphore, #tpu.memory_space<semaphore_mem>>
      %dma_start3A_97 = arith.constant 0 : i32
      %dma_start3A_98 = tpu.memref_slice %arg10[%add3A_8, %dma_start3A_97] : memref<16384x128xf32, #tpu.memory_space<hbm>> -> memref<256x128xf32, #tpu.memory_space<hbm>>
      %dma_start3A_99 = arith.constant 0 : i32
      %dma_start3A_100 = tpu.memref_slice %arg10[%add3A_8, %dma_start3A_99] : memref<16384x128xf32, #tpu.memory_space<hbm>> -> memref<256x128xf32, #tpu.memory_space<hbm>>
      tpu.enqueue_dma source(%arg18 : memref<256x128xf32, #tpu.memory_space<vmem>>) target(%dma_start3A_100 : memref<256x128xf32, #tpu.memory_space<hbm>>) target_semaphore(%run_scoped3A : memref<!tpu.dma_semaphore, #tpu.memory_space<semaphore_mem>>)
      %dma_wait3A_101 = arith.constant 0 : i32
      %dma_wait3A_102 = tpu.memref_slice %arg10[%add3A_8, %dma_wait3A_101] : memref<16384x128xf32, #tpu.memory_space<hbm>> -> memref<256x128xf32, #tpu.memory_space<hbm>>
      %dma_wait3A_103 = arith.constant 0 : i32
      %dma_wait3A_104 = tpu.memref_slice %arg10[%add3A_8, %dma_wait3A_103] : memref<16384x128xf32, #tpu.memory_space<hbm>> -> memref<256x128xf32, #tpu.memory_space<hbm>>
      tpu.wait_dma2 semaphore(%run_scoped3A : memref<!tpu.dma_semaphore, #tpu.memory_space<semaphore_mem>>) src(%arg18 : memref<256x128xf32, #tpu.memory_space<vmem>>) dst(%dma_wait3A_104 : memref<256x128xf32, #tpu.memory_space<hbm>>)
      tpu.yield
    }) : () -> ()
    %dma_start3A_20 = arith.constant 0 : i32
    %dma_start3A_21 = tpu.memref_slice %arg15[%dma_start3A_20] : memref<512xi32, #tpu.memory_space<vmem>> -> memref<256xi32, #tpu.memory_space<vmem>>
    %dma_start3A_22 = arith.constant 0 : i32
    %dma_start3A_23 = arith.constant 0 : i32
    %dma_start3A_24 = tpu.memref_slice %arg3[%dma_start3A_22, %dma_start3A_23] : memref<50000x128xf32, #tpu.memory_space<hbm>> -> memref<50000x128xf32, #tpu.memory_space<hbm>>
    tpu.enqueue_indirect_dma source(%dma_start3A_24 : memref<50000x128xf32, #tpu.memory_space<hbm>>) target(%arg18 : memref<256x128xf32, #tpu.memory_space<vmem>>) offsets(%dma_start3A_21 : memref<256xi32, #tpu.memory_space<vmem>>) semaphore(%arg20 : memref<!tpu.dma_semaphore, #tpu.memory_space<semaphore_mem>>)
    %add3A_25 = arith.constant 0 : i32
    %add3A_26 = arith.addi %mul3A_2, %add3A_25 : i32
    %dma_wait3A_27 = arith.constant 256 : i32
    %dma_wait3A_28 = tpu.memref_slice %arg14[%dma_wait3A_27] : memref<512xi32, #tpu.memory_space<vmem>> -> memref<256xi32, #tpu.memory_space<vmem>>
    %dma_wait3A_29 = arith.constant 0 : i32
    %dma_wait3A_30 = arith.constant 0 : i32
    %dma_wait3A_31 = tpu.memref_slice %arg2[%dma_wait3A_29, %dma_wait3A_30] : memref<500000x128xf32, #tpu.memory_space<hbm>> -> memref<500000x128xf32, #tpu.memory_space<hbm>>
    tpu.wait_indirect_dma semaphore(%arg21 : memref<!tpu.dma_semaphore, #tpu.memory_space<semaphore_mem>>) src(%dma_wait3A_31 : memref<500000x128xf32, #tpu.memory_space<hbm>>) dst(%arg19 : memref<256x128xf32, #tpu.memory_space<vmem>>)
    "tpu.region"() ({
      %run_scoped3A = tpu.sem_alloc : memref<!tpu.dma_semaphore, #tpu.memory_space<semaphore_mem>>
      %dma_start3A_97 = arith.constant 0 : i32
      %dma_start3A_98 = tpu.memref_slice %arg10[%add3A_15, %dma_start3A_97] : memref<16384x128xf32, #tpu.memory_space<hbm>> -> memref<256x128xf32, #tpu.memory_space<hbm>>
      %dma_start3A_99 = arith.constant 0 : i32
      %dma_start3A_100 = tpu.memref_slice %arg10[%add3A_15, %dma_start3A_99] : memref<16384x128xf32, #tpu.memory_space<hbm>> -> memref<256x128xf32, #tpu.memory_space<hbm>>
      tpu.enqueue_dma source(%arg19 : memref<256x128xf32, #tpu.memory_space<vmem>>) target(%dma_start3A_100 : memref<256x128xf32, #tpu.memory_space<hbm>>) target_semaphore(%run_scoped3A : memref<!tpu.dma_semaphore, #tpu.memory_space<semaphore_mem>>)
      %dma_wait3A_101 = arith.constant 0 : i32
      %dma_wait3A_102 = tpu.memref_slice %arg10[%add3A_15, %dma_wait3A_101] : memref<16384x128xf32, #tpu.memory_space<hbm>> -> memref<256x128xf32, #tpu.memory_space<hbm>>
      %dma_wait3A_103 = arith.constant 0 : i32
      %dma_wait3A_104 = tpu.memref_slice %arg10[%add3A_15, %dma_wait3A_103] : memref<16384x128xf32, #tpu.memory_space<hbm>> -> memref<256x128xf32, #tpu.memory_space<hbm>>
      tpu.wait_dma2 semaphore(%run_scoped3A : memref<!tpu.dma_semaphore, #tpu.memory_space<semaphore_mem>>) src(%arg19 : memref<256x128xf32, #tpu.memory_space<vmem>>) dst(%dma_wait3A_104 : memref<256x128xf32, #tpu.memory_space<hbm>>)
      tpu.yield
    }) : () -> ()
    %dma_start3A_32 = arith.constant 256 : i32
    %dma_start3A_33 = tpu.memref_slice %arg15[%dma_start3A_32] : memref<512xi32, #tpu.memory_space<vmem>> -> memref<256xi32, #tpu.memory_space<vmem>>
    %dma_start3A_34 = arith.constant 0 : i32
    %dma_start3A_35 = arith.constant 0 : i32
    %dma_start3A_36 = tpu.memref_slice %arg3[%dma_start3A_34, %dma_start3A_35] : memref<50000x128xf32, #tpu.memory_space<hbm>> -> memref<50000x128xf32, #tpu.memory_space<hbm>>
    tpu.enqueue_indirect_dma source(%dma_start3A_36 : memref<50000x128xf32, #tpu.memory_space<hbm>>) target(%arg19 : memref<256x128xf32, #tpu.memory_space<vmem>>) offsets(%dma_start3A_33 : memref<256xi32, #tpu.memory_space<vmem>>) semaphore(%arg21 : memref<!tpu.dma_semaphore, #tpu.memory_space<semaphore_mem>>)
    %add3A_37 = arith.constant 256 : i32
    %add3A_38 = arith.addi %mul3A_2, %add3A_37 : i32
    %dma_wait3A_39 = arith.constant 0 : i32
    %dma_wait3A_40 = tpu.memref_slice %arg15[%dma_wait3A_39] : memref<512xi32, #tpu.memory_space<vmem>> -> memref<256xi32, #tpu.memory_space<vmem>>
    %dma_wait3A_41 = arith.constant 0 : i32
    %dma_wait3A_42 = arith.constant 0 : i32
    %dma_wait3A_43 = tpu.memref_slice %arg3[%dma_wait3A_41, %dma_wait3A_42] : memref<50000x128xf32, #tpu.memory_space<hbm>> -> memref<50000x128xf32, #tpu.memory_space<hbm>>
    tpu.wait_indirect_dma semaphore(%arg20 : memref<!tpu.dma_semaphore, #tpu.memory_space<semaphore_mem>>) src(%dma_wait3A_43 : memref<50000x128xf32, #tpu.memory_space<hbm>>) dst(%arg18 : memref<256x128xf32, #tpu.memory_space<vmem>>)
    "tpu.region"() ({
      %run_scoped3A = tpu.sem_alloc : memref<!tpu.dma_semaphore, #tpu.memory_space<semaphore_mem>>
      %dma_start3A_97 = arith.constant 0 : i32
      %dma_start3A_98 = tpu.memref_slice %arg11[%add3A_26, %dma_start3A_97] : memref<16384x128xf32, #tpu.memory_space<hbm>> -> memref<256x128xf32, #tpu.memory_space<hbm>>
      %dma_start3A_99 = arith.constant 0 : i32
      %dma_start3A_100 = tpu.memref_slice %arg11[%add3A_26, %dma_start3A_99] : memref<16384x128xf32, #tpu.memory_space<hbm>> -> memref<256x128xf32, #tpu.memory_space<hbm>>
      tpu.enqueue_dma source(%arg18 : memref<256x128xf32, #tpu.memory_space<vmem>>) target(%dma_start3A_100 : memref<256x128xf32, #tpu.memory_space<hbm>>) target_semaphore(%run_scoped3A : memref<!tpu.dma_semaphore, #tpu.memory_space<semaphore_mem>>)
      %dma_wait3A_101 = arith.constant 0 : i32
      %dma_wait3A_102 = tpu.memref_slice %arg11[%add3A_26, %dma_wait3A_101] : memref<16384x128xf32, #tpu.memory_space<hbm>> -> memref<256x128xf32, #tpu.memory_space<hbm>>
      %dma_wait3A_103 = arith.constant 0 : i32
      %dma_wait3A_104 = tpu.memref_slice %arg11[%add3A_26, %dma_wait3A_103] : memref<16384x128xf32, #tpu.memory_space<hbm>> -> memref<256x128xf32, #tpu.memory_space<hbm>>
      tpu.wait_dma2 semaphore(%run_scoped3A : memref<!tpu.dma_semaphore, #tpu.memory_space<semaphore_mem>>) src(%arg18 : memref<256x128xf32, #tpu.memory_space<vmem>>) dst(%dma_wait3A_104 : memref<256x128xf32, #tpu.memory_space<hbm>>)
      tpu.yield
    }) : () -> ()
    %dma_start3A_44 = arith.constant 0 : i32
    %dma_start3A_45 = tpu.memref_slice %arg16[%dma_start3A_44] : memref<512xi32, #tpu.memory_space<vmem>> -> memref<256xi32, #tpu.memory_space<vmem>>
    %dma_start3A_46 = arith.constant 0 : i32
    %dma_start3A_47 = arith.constant 0 : i32
    %dma_start3A_48 = tpu.memref_slice %arg4[%dma_start3A_46, %dma_start3A_47] : memref<1000000x128xf32, #tpu.memory_space<hbm>> -> memref<1000000x128xf32, #tpu.memory_space<hbm>>
    tpu.enqueue_indirect_dma source(%dma_start3A_48 : memref<1000000x128xf32, #tpu.memory_space<hbm>>) target(%arg18 : memref<256x128xf32, #tpu.memory_space<vmem>>) offsets(%dma_start3A_45 : memref<256xi32, #tpu.memory_space<vmem>>) semaphore(%arg20 : memref<!tpu.dma_semaphore, #tpu.memory_space<semaphore_mem>>)
    %add3A_49 = arith.constant 0 : i32
    %add3A_50 = arith.addi %mul3A_2, %add3A_49 : i32
    %dma_wait3A_51 = arith.constant 256 : i32
    %dma_wait3A_52 = tpu.memref_slice %arg15[%dma_wait3A_51] : memref<512xi32, #tpu.memory_space<vmem>> -> memref<256xi32, #tpu.memory_space<vmem>>
    %dma_wait3A_53 = arith.constant 0 : i32
    %dma_wait3A_54 = arith.constant 0 : i32
    %dma_wait3A_55 = tpu.memref_slice %arg3[%dma_wait3A_53, %dma_wait3A_54] : memref<50000x128xf32, #tpu.memory_space<hbm>> -> memref<50000x128xf32, #tpu.memory_space<hbm>>
    tpu.wait_indirect_dma semaphore(%arg21 : memref<!tpu.dma_semaphore, #tpu.memory_space<semaphore_mem>>) src(%dma_wait3A_55 : memref<50000x128xf32, #tpu.memory_space<hbm>>) dst(%arg19 : memref<256x128xf32, #tpu.memory_space<vmem>>)
    "tpu.region"() ({
      %run_scoped3A = tpu.sem_alloc : memref<!tpu.dma_semaphore, #tpu.memory_space<semaphore_mem>>
      %dma_start3A_97 = arith.constant 0 : i32
      %dma_start3A_98 = tpu.memref_slice %arg11[%add3A_38, %dma_start3A_97] : memref<16384x128xf32, #tpu.memory_space<hbm>> -> memref<256x128xf32, #tpu.memory_space<hbm>>
      %dma_start3A_99 = arith.constant 0 : i32
      %dma_start3A_100 = tpu.memref_slice %arg11[%add3A_38, %dma_start3A_99] : memref<16384x128xf32, #tpu.memory_space<hbm>> -> memref<256x128xf32, #tpu.memory_space<hbm>>
      tpu.enqueue_dma source(%arg19 : memref<256x128xf32, #tpu.memory_space<vmem>>) target(%dma_start3A_100 : memref<256x128xf32, #tpu.memory_space<hbm>>) target_semaphore(%run_scoped3A : memref<!tpu.dma_semaphore, #tpu.memory_space<semaphore_mem>>)
      %dma_wait3A_101 = arith.constant 0 : i32
      %dma_wait3A_102 = tpu.memref_slice %arg11[%add3A_38, %dma_wait3A_101] : memref<16384x128xf32, #tpu.memory_space<hbm>> -> memref<256x128xf32, #tpu.memory_space<hbm>>
      %dma_wait3A_103 = arith.constant 0 : i32
      %dma_wait3A_104 = tpu.memref_slice %arg11[%add3A_38, %dma_wait3A_103] : memref<16384x128xf32, #tpu.memory_space<hbm>> -> memref<256x128xf32, #tpu.memory_space<hbm>>
      tpu.wait_dma2 semaphore(%run_scoped3A : memref<!tpu.dma_semaphore, #tpu.memory_space<semaphore_mem>>) src(%arg19 : memref<256x128xf32, #tpu.memory_space<vmem>>) dst(%dma_wait3A_104 : memref<256x128xf32, #tpu.memory_space<hbm>>)
      tpu.yield
    }) : () -> ()
    %dma_start3A_56 = arith.constant 256 : i32
    %dma_start3A_57 = tpu.memref_slice %arg16[%dma_start3A_56] : memref<512xi32, #tpu.memory_space<vmem>> -> memref<256xi32, #tpu.memory_space<vmem>>
    %dma_start3A_58 = arith.constant 0 : i32
    %dma_start3A_59 = arith.constant 0 : i32
    %dma_start3A_60 = tpu.memref_slice %arg4[%dma_start3A_58, %dma_start3A_59] : memref<1000000x128xf32, #tpu.memory_space<hbm>> -> memref<1000000x128xf32, #tpu.memory_space<hbm>>
    tpu.enqueue_indirect_dma source(%dma_start3A_60 : memref<1000000x128xf32, #tpu.memory_space<hbm>>) target(%arg19 : memref<256x128xf32, #tpu.memory_space<vmem>>) offsets(%dma_start3A_57 : memref<256xi32, #tpu.memory_space<vmem>>) semaphore(%arg21 : memref<!tpu.dma_semaphore, #tpu.memory_space<semaphore_mem>>)
    %add3A_61 = arith.constant 256 : i32
    %add3A_62 = arith.addi %mul3A_2, %add3A_61 : i32
    %dma_wait3A_63 = arith.constant 0 : i32
    %dma_wait3A_64 = tpu.memref_slice %arg16[%dma_wait3A_63] : memref<512xi32, #tpu.memory_space<vmem>> -> memref<256xi32, #tpu.memory_space<vmem>>
    %dma_wait3A_65 = arith.constant 0 : i32
    %dma_wait3A_66 = arith.constant 0 : i32
    %dma_wait3A_67 = tpu.memref_slice %arg4[%dma_wait3A_65, %dma_wait3A_66] : memref<1000000x128xf32, #tpu.memory_space<hbm>> -> memref<1000000x128xf32, #tpu.memory_space<hbm>>
    tpu.wait_indirect_dma semaphore(%arg20 : memref<!tpu.dma_semaphore, #tpu.memory_space<semaphore_mem>>) src(%dma_wait3A_67 : memref<1000000x128xf32, #tpu.memory_space<hbm>>) dst(%arg18 : memref<256x128xf32, #tpu.memory_space<vmem>>)
    "tpu.region"() ({
      %run_scoped3A = tpu.sem_alloc : memref<!tpu.dma_semaphore, #tpu.memory_space<semaphore_mem>>
      %dma_start3A_97 = arith.constant 0 : i32
      %dma_start3A_98 = tpu.memref_slice %arg12[%add3A_50, %dma_start3A_97] : memref<16384x128xf32, #tpu.memory_space<hbm>> -> memref<256x128xf32, #tpu.memory_space<hbm>>
      %dma_start3A_99 = arith.constant 0 : i32
      %dma_start3A_100 = tpu.memref_slice %arg12[%add3A_50, %dma_start3A_99] : memref<16384x128xf32, #tpu.memory_space<hbm>> -> memref<256x128xf32, #tpu.memory_space<hbm>>
      tpu.enqueue_dma source(%arg18 : memref<256x128xf32, #tpu.memory_space<vmem>>) target(%dma_start3A_100 : memref<256x128xf32, #tpu.memory_space<hbm>>) target_semaphore(%run_scoped3A : memref<!tpu.dma_semaphore, #tpu.memory_space<semaphore_mem>>)
      %dma_wait3A_101 = arith.constant 0 : i32
      %dma_wait3A_102 = tpu.memref_slice %arg12[%add3A_50, %dma_wait3A_101] : memref<16384x128xf32, #tpu.memory_space<hbm>> -> memref<256x128xf32, #tpu.memory_space<hbm>>
      %dma_wait3A_103 = arith.constant 0 : i32
      %dma_wait3A_104 = tpu.memref_slice %arg12[%add3A_50, %dma_wait3A_103] : memref<16384x128xf32, #tpu.memory_space<hbm>> -> memref<256x128xf32, #tpu.memory_space<hbm>>
      tpu.wait_dma2 semaphore(%run_scoped3A : memref<!tpu.dma_semaphore, #tpu.memory_space<semaphore_mem>>) src(%arg18 : memref<256x128xf32, #tpu.memory_space<vmem>>) dst(%dma_wait3A_104 : memref<256x128xf32, #tpu.memory_space<hbm>>)
      tpu.yield
    }) : () -> ()
    %dma_start3A_68 = arith.constant 0 : i32
    %dma_start3A_69 = tpu.memref_slice %arg17[%dma_start3A_68] : memref<512xi32, #tpu.memory_space<vmem>> -> memref<256xi32, #tpu.memory_space<vmem>>
    %dma_start3A_70 = arith.constant 0 : i32
    %dma_start3A_71 = arith.constant 0 : i32
    %dma_start3A_72 = tpu.memref_slice %arg5[%dma_start3A_70, %dma_start3A_71] : memref<100000x128xf32, #tpu.memory_space<hbm>> -> memref<100000x128xf32, #tpu.memory_space<hbm>>
    tpu.enqueue_indirect_dma source(%dma_start3A_72 : memref<100000x128xf32, #tpu.memory_space<hbm>>) target(%arg18 : memref<256x128xf32, #tpu.memory_space<vmem>>) offsets(%dma_start3A_69 : memref<256xi32, #tpu.memory_space<vmem>>) semaphore(%arg20 : memref<!tpu.dma_semaphore, #tpu.memory_space<semaphore_mem>>)
    %add3A_73 = arith.constant 0 : i32
    %add3A_74 = arith.addi %mul3A_2, %add3A_73 : i32
    %dma_wait3A_75 = arith.constant 256 : i32
    %dma_wait3A_76 = tpu.memref_slice %arg16[%dma_wait3A_75] : memref<512xi32, #tpu.memory_space<vmem>> -> memref<256xi32, #tpu.memory_space<vmem>>
    %dma_wait3A_77 = arith.constant 0 : i32
    %dma_wait3A_78 = arith.constant 0 : i32
    %dma_wait3A_79 = tpu.memref_slice %arg4[%dma_wait3A_77, %dma_wait3A_78] : memref<1000000x128xf32, #tpu.memory_space<hbm>> -> memref<1000000x128xf32, #tpu.memory_space<hbm>>
    tpu.wait_indirect_dma semaphore(%arg21 : memref<!tpu.dma_semaphore, #tpu.memory_space<semaphore_mem>>) src(%dma_wait3A_79 : memref<1000000x128xf32, #tpu.memory_space<hbm>>) dst(%arg19 : memref<256x128xf32, #tpu.memory_space<vmem>>)
    "tpu.region"() ({
      %run_scoped3A = tpu.sem_alloc : memref<!tpu.dma_semaphore, #tpu.memory_space<semaphore_mem>>
      %dma_start3A_97 = arith.constant 0 : i32
      %dma_start3A_98 = tpu.memref_slice %arg12[%add3A_62, %dma_start3A_97] : memref<16384x128xf32, #tpu.memory_space<hbm>> -> memref<256x128xf32, #tpu.memory_space<hbm>>
      %dma_start3A_99 = arith.constant 0 : i32
      %dma_start3A_100 = tpu.memref_slice %arg12[%add3A_62, %dma_start3A_99] : memref<16384x128xf32, #tpu.memory_space<hbm>> -> memref<256x128xf32, #tpu.memory_space<hbm>>
      tpu.enqueue_dma source(%arg19 : memref<256x128xf32, #tpu.memory_space<vmem>>) target(%dma_start3A_100 : memref<256x128xf32, #tpu.memory_space<hbm>>) target_semaphore(%run_scoped3A : memref<!tpu.dma_semaphore, #tpu.memory_space<semaphore_mem>>)
      %dma_wait3A_101 = arith.constant 0 : i32
      %dma_wait3A_102 = tpu.memref_slice %arg12[%add3A_62, %dma_wait3A_101] : memref<16384x128xf32, #tpu.memory_space<hbm>> -> memref<256x128xf32, #tpu.memory_space<hbm>>
      %dma_wait3A_103 = arith.constant 0 : i32
      %dma_wait3A_104 = tpu.memref_slice %arg12[%add3A_62, %dma_wait3A_103] : memref<16384x128xf32, #tpu.memory_space<hbm>> -> memref<256x128xf32, #tpu.memory_space<hbm>>
      tpu.wait_dma2 semaphore(%run_scoped3A : memref<!tpu.dma_semaphore, #tpu.memory_space<semaphore_mem>>) src(%arg19 : memref<256x128xf32, #tpu.memory_space<vmem>>) dst(%dma_wait3A_104 : memref<256x128xf32, #tpu.memory_space<hbm>>)
      tpu.yield
    }) : () -> ()
    %dma_start3A_80 = arith.constant 256 : i32
    %dma_start3A_81 = tpu.memref_slice %arg17[%dma_start3A_80] : memref<512xi32, #tpu.memory_space<vmem>> -> memref<256xi32, #tpu.memory_space<vmem>>
    %dma_start3A_82 = arith.constant 0 : i32
    %dma_start3A_83 = arith.constant 0 : i32
    %dma_start3A_84 = tpu.memref_slice %arg5[%dma_start3A_82, %dma_start3A_83] : memref<100000x128xf32, #tpu.memory_space<hbm>> -> memref<100000x128xf32, #tpu.memory_space<hbm>>
    tpu.enqueue_indirect_dma source(%dma_start3A_84 : memref<100000x128xf32, #tpu.memory_space<hbm>>) target(%arg19 : memref<256x128xf32, #tpu.memory_space<vmem>>) offsets(%dma_start3A_81 : memref<256xi32, #tpu.memory_space<vmem>>) semaphore(%arg21 : memref<!tpu.dma_semaphore, #tpu.memory_space<semaphore_mem>>)
    %add3A_85 = arith.constant 256 : i32
    %add3A_86 = arith.addi %mul3A_2, %add3A_85 : i32
    %dma_wait3A_87 = arith.constant 0 : i32
    %dma_wait3A_88 = tpu.memref_slice %arg17[%dma_wait3A_87] : memref<512xi32, #tpu.memory_space<vmem>> -> memref<256xi32, #tpu.memory_space<vmem>>
    %dma_wait3A_89 = arith.constant 0 : i32
    %dma_wait3A_90 = arith.constant 0 : i32
    %dma_wait3A_91 = tpu.memref_slice %arg5[%dma_wait3A_89, %dma_wait3A_90] : memref<100000x128xf32, #tpu.memory_space<hbm>> -> memref<100000x128xf32, #tpu.memory_space<hbm>>
    tpu.wait_indirect_dma semaphore(%arg20 : memref<!tpu.dma_semaphore, #tpu.memory_space<semaphore_mem>>) src(%dma_wait3A_91 : memref<100000x128xf32, #tpu.memory_space<hbm>>) dst(%arg18 : memref<256x128xf32, #tpu.memory_space<vmem>>)
    "tpu.region"() ({
      %run_scoped3A = tpu.sem_alloc : memref<!tpu.dma_semaphore, #tpu.memory_space<semaphore_mem>>
      %dma_start3A_97 = arith.constant 0 : i32
      %dma_start3A_98 = tpu.memref_slice %arg13[%add3A_74, %dma_start3A_97] : memref<16384x128xf32, #tpu.memory_space<hbm>> -> memref<256x128xf32, #tpu.memory_space<hbm>>
      %dma_start3A_99 = arith.constant 0 : i32
      %dma_start3A_100 = tpu.memref_slice %arg13[%add3A_74, %dma_start3A_99] : memref<16384x128xf32, #tpu.memory_space<hbm>> -> memref<256x128xf32, #tpu.memory_space<hbm>>
      tpu.enqueue_dma source(%arg18 : memref<256x128xf32, #tpu.memory_space<vmem>>) target(%dma_start3A_100 : memref<256x128xf32, #tpu.memory_space<hbm>>) target_semaphore(%run_scoped3A : memref<!tpu.dma_semaphore, #tpu.memory_space<semaphore_mem>>)
      %dma_wait3A_101 = arith.constant 0 : i32
      %dma_wait3A_102 = tpu.memref_slice %arg13[%add3A_74, %dma_wait3A_101] : memref<16384x128xf32, #tpu.memory_space<hbm>> -> memref<256x128xf32, #tpu.memory_space<hbm>>
      %dma_wait3A_103 = arith.constant 0 : i32
      %dma_wait3A_104 = tpu.memref_slice %arg13[%add3A_74, %dma_wait3A_103] : memref<16384x128xf32, #tpu.memory_space<hbm>> -> memref<256x128xf32, #tpu.memory_space<hbm>>
      tpu.wait_dma2 semaphore(%run_scoped3A : memref<!tpu.dma_semaphore, #tpu.memory_space<semaphore_mem>>) src(%arg18 : memref<256x128xf32, #tpu.memory_space<vmem>>) dst(%dma_wait3A_104 : memref<256x128xf32, #tpu.memory_space<hbm>>)
      tpu.yield
    }) : () -> ()
    %dma_wait3A_92 = arith.constant 256 : i32
    %dma_wait3A_93 = tpu.memref_slice %arg17[%dma_wait3A_92] : memref<512xi32, #tpu.memory_space<vmem>> -> memref<256xi32, #tpu.memory_space<vmem>>
    %dma_wait3A_94 = arith.constant 0 : i32
    %dma_wait3A_95 = arith.constant 0 : i32
    %dma_wait3A_96 = tpu.memref_slice %arg5[%dma_wait3A_94, %dma_wait3A_95] : memref<100000x128xf32, #tpu.memory_space<hbm>> -> memref<100000x128xf32, #tpu.memory_space<hbm>>
    tpu.wait_indirect_dma semaphore(%arg21 : memref<!tpu.dma_semaphore, #tpu.memory_space<semaphore_mem>>) src(%dma_wait3A_96 : memref<100000x128xf32, #tpu.memory_space<hbm>>) dst(%arg19 : memref<256x128xf32, #tpu.memory_space<vmem>>)
    "tpu.region"() ({
      %run_scoped3A = tpu.sem_alloc : memref<!tpu.dma_semaphore, #tpu.memory_space<semaphore_mem>>
      %dma_start3A_97 = arith.constant 0 : i32
      %dma_start3A_98 = tpu.memref_slice %arg13[%add3A_86, %dma_start3A_97] : memref<16384x128xf32, #tpu.memory_space<hbm>> -> memref<256x128xf32, #tpu.memory_space<hbm>>
      %dma_start3A_99 = arith.constant 0 : i32
      %dma_start3A_100 = tpu.memref_slice %arg13[%add3A_86, %dma_start3A_99] : memref<16384x128xf32, #tpu.memory_space<hbm>> -> memref<256x128xf32, #tpu.memory_space<hbm>>
      tpu.enqueue_dma source(%arg19 : memref<256x128xf32, #tpu.memory_space<vmem>>) target(%dma_start3A_100 : memref<256x128xf32, #tpu.memory_space<hbm>>) target_semaphore(%run_scoped3A : memref<!tpu.dma_semaphore, #tpu.memory_space<semaphore_mem>>)
      %dma_wait3A_101 = arith.constant 0 : i32
      %dma_wait3A_102 = tpu.memref_slice %arg13[%add3A_86, %dma_wait3A_101] : memref<16384x128xf32, #tpu.memory_space<hbm>> -> memref<256x128xf32, #tpu.memory_space<hbm>>
      %dma_wait3A_103 = arith.constant 0 : i32
      %dma_wait3A_104 = tpu.memref_slice %arg13[%add3A_86, %dma_wait3A_103] : memref<16384x128xf32, #tpu.memory_space<hbm>> -> memref<256x128xf32, #tpu.memory_space<hbm>>
      tpu.wait_dma2 semaphore(%run_scoped3A : memref<!tpu.dma_semaphore, #tpu.memory_space<semaphore_mem>>) src(%arg19 : memref<256x128xf32, #tpu.memory_space<vmem>>) dst(%dma_wait3A_104 : memref<256x128xf32, #tpu.memory_space<hbm>>)
      tpu.yield
    }) : () -> ()
    return
  }
}

module attributes {stable_mosaic.version = 14 : i64} {
  func.func @_pack_body(%arg0: i32, %arg1: memref<2x2000x64xf32, #tpu.memory_space<vmem>>, %arg2: memref<2000x128xf32, #tpu.memory_space<vmem>>) attributes {dimension_semantics = [#tpu.dimension_semantics<arbitrary>], iteration_bounds = array<i64: 25>, scalar_prefetch = 0 : i64, scratch_operands = 0 : i64, tpu.core_type = #tpu.core_type<tc>, window_params = [{transform_indices = @transform_0, window_bounds = array<i64: 2, 2000, 64>}, {transform_indices = @transform_1, window_bounds = array<i64: 2000, 128>}]} {
    %get3A = arith.constant 0 : index
    %get3A_0 = arith.constant 0 : index
    %get3A_1 = arith.constant 0 : index
    %get3A_2 = vector.load %arg1[%get3A, %get3A_0, %get3A_1] : memref<2x2000x64xf32, #tpu.memory_space<vmem>>, vector<1x2000x64xf32>
    %get3A_3 = vector.shape_cast %get3A_2 : vector<1x2000x64xf32> to vector<2000x64xf32>
    %get3A_4 = arith.constant 1 : index
    %get3A_5 = arith.constant 0 : index
    %get3A_6 = arith.constant 0 : index
    %get3A_7 = vector.load %arg1[%get3A_4, %get3A_5, %get3A_6] : memref<2x2000x64xf32, #tpu.memory_space<vmem>>, vector<1x2000x64xf32>
    %get3A_8 = vector.shape_cast %get3A_7 : vector<1x2000x64xf32> to vector<2000x64xf32>
    %concatenate3A = tpu.concatenate %get3A_3, %get3A_8 in 1 : vector<2000x64xf32>, vector<2000x64xf32> -> vector<2000x128xf32>
    %swap3A = arith.constant 0 : index
    %swap3A_9 = arith.constant 0 : index
    %swap3A_10 = vector.load %arg2[%swap3A, %swap3A_9] : memref<2000x128xf32, #tpu.memory_space<vmem>>, vector<2000x128xf32>
    tpu.vector_store %arg2[%swap3A, %swap3A_9], %concatenate3A {strides = array<i32>} : memref<2000x128xf32, #tpu.memory_space<vmem>>, vector<2000x128xf32>,
    return
  }
  func.func @transform_0(%arg0: i32) -> (i32, i32, i32) {
    %c0_i32 = arith.constant 0 : i32
    %c0_i32_0 = arith.constant 0 : i32
    %c0_i32_1 = arith.constant 0 : i32
    return %c0_i32, %arg0, %c0_i32_0 : i32, i32, i32
  }
  func.func @transform_1(%arg0: i32) -> (i32, i32) {
    %c0_i32 = arith.constant 0 : i32
    %c0_i32_0 = arith.constant 0 : i32
    return %arg0, %c0_i32 : i32, i32
  }
}

module attributes {stable_mosaic.version = 14 : i64} {
  func.func @_pack_body(%arg0: i32, %arg1: memref<2x2000x64xf32, #tpu.memory_space<vmem>>, %arg2: memref<2000x128xf32, #tpu.memory_space<vmem>>) attributes {dimension_semantics = [#tpu.dimension_semantics<arbitrary>], iteration_bounds = array<i64: 250>, scalar_prefetch = 0 : i64, scratch_operands = 0 : i64, tpu.core_type = #tpu.core_type<tc>, window_params = [{transform_indices = @transform_0, window_bounds = array<i64: 2, 2000, 64>}, {transform_indices = @transform_1, window_bounds = array<i64: 2000, 128>}]} {
    %get3A = arith.constant 0 : index
    %get3A_0 = arith.constant 0 : index
    %get3A_1 = arith.constant 0 : index
    %get3A_2 = vector.load %arg1[%get3A, %get3A_0, %get3A_1] : memref<2x2000x64xf32, #tpu.memory_space<vmem>>, vector<1x2000x64xf32>
    %get3A_3 = vector.shape_cast %get3A_2 : vector<1x2000x64xf32> to vector<2000x64xf32>
    %get3A_4 = arith.constant 1 : index
    %get3A_5 = arith.constant 0 : index
    %get3A_6 = arith.constant 0 : index
    %get3A_7 = vector.load %arg1[%get3A_4, %get3A_5, %get3A_6] : memref<2x2000x64xf32, #tpu.memory_space<vmem>>, vector<1x2000x64xf32>
    %get3A_8 = vector.shape_cast %get3A_7 : vector<1x2000x64xf32> to vector<2000x64xf32>
    %concatenate3A = tpu.concatenate %get3A_3, %get3A_8 in 1 : vector<2000x64xf32>, vector<2000x64xf32> -> vector<2000x128xf32>
    %swap3A = arith.constant 0 : index
    %swap3A_9 = arith.constant 0 : index
    %swap3A_10 = vector.load %arg2[%swap3A, %swap3A_9] : memref<2000x128xf32, #tpu.memory_space<vmem>>, vector<2000x128xf32>
    tpu.vector_store %arg2[%swap3A, %swap3A_9], %concatenate3A {strides = array<i32>} : memref<2000x128xf32, #tpu.memory_space<vmem>>, vector<2000x128xf32>,
    return
  }
  func.func @transform_0(%arg0: i32) -> (i32, i32, i32) {
    %c0_i32 = arith.constant 0 : i32
    %c0_i32_0 = arith.constant 0 : i32
    %c0_i32_1 = arith.constant 0 : i32
    return %c0_i32, %arg0, %c0_i32_0 : i32, i32, i32
  }
  func.func @transform_1(%arg0: i32) -> (i32, i32) {
    %c0_i32 = arith.constant 0 : i32
    %c0_i32_0 = arith.constant 0 : i32
    return %arg0, %c0_i32 : i32, i32
  }
}

module attributes {stable_mosaic.version = 14 : i64} {
  func.func @_head_body(%arg0: i32, %arg1: memref<2048x128xf32, #tpu.memory_space<vmem>>, %arg2: memref<2048x128xf32, #tpu.memory_space<vmem>>, %arg3: memref<2048x128xf32, #tpu.memory_space<vmem>>, %arg4: memref<2048x128xf32, #tpu.memory_space<vmem>>, %arg5: memref<2048x1xf32, #tpu.memory_space<vmem>>, %arg6: memref<2048x1xf32, #tpu.memory_space<vmem>>, %arg7: memref<128x128xf32, #tpu.memory_space<vmem>>, %arg8: memref<128x128xf32, #tpu.memory_space<vmem>>, %arg9: memref<1x128xf32, #tpu.memory_space<vmem>>, %arg10: memref<128x64xf32, #tpu.memory_space<vmem>>, %arg11: memref<1x64xf32, #tpu.memory_space<vmem>>, %arg12: memref<1x64xf32, #tpu.memory_space<vmem>>, %arg13: memref<1x64xf32, #tpu.memory_space<vmem>>, %arg14: memref<1xf32, #tpu.memory_space<vmem>>, %arg15: memref<2048xf32, #tpu.memory_space<vmem>>) attributes {dimension_semantics = [#tpu.dimension_semantics<arbitrary>], iteration_bounds = array<i64: 8>, scalar_prefetch = 0 : i64, scratch_operands = 0 : i64, tpu.core_type = #tpu.core_type<tc>, window_params = [{transform_indices = @transform_0, window_bounds = array<i64: 2048, 128>}, {transform_indices = @transform_1, window_bounds = array<i64: 2048, 128>}, {transform_indices = @transform_2, window_bounds = array<i64: 2048, 128>}, {transform_indices = @transform_3, window_bounds = array<i64: 2048, 128>}, {transform_indices = @transform_4, window_bounds = array<i64: 2048, 1>}, {transform_indices = @transform_5, window_bounds = array<i64: 2048, 1>}, {pipeline_mode = #tpu.pipeline_mode<synchronous>, transform_indices = @transform_6, window_bounds = array<i64: 128, 128>}, {pipeline_mode = #tpu.pipeline_mode<synchronous>, transform_indices = @transform_7, window_bounds = array<i64: 128, 128>}, {pipeline_mode = #tpu.pipeline_mode<synchronous>, transform_indices = @transform_8, window_bounds = array<i64: 1, 128>}, {pipeline_mode = #tpu.pipeline_mode<synchronous>, transform_indices = @transform_9, window_bounds = array<i64: 128, 64>}, {pipeline_mode = #tpu.pipeline_mode<synchronous>, transform_indices = @transform_10, window_bounds = array<i64: 1, 64>}, {pipeline_mode = #tpu.pipeline_mode<synchronous>, transform_indices = @transform_11, window_bounds = array<i64: 1, 64>}, {pipeline_mode = #tpu.pipeline_mode<synchronous>, transform_indices = @transform_12, window_bounds = array<i64: 1, 64>}, {pipeline_mode = #tpu.pipeline_mode<synchronous>, transform_indices = @transform_13, window_bounds = array<i64: 1>}, {transform_indices = @transform_14, window_bounds = array<i64: 2048>}]} {
    %get3A = arith.constant 0 : index
    %get3A_0 = arith.constant 0 : index
    %get3A_1 = vector.load %arg3[%get3A, %get3A_0] : memref<2048x128xf32, #tpu.memory_space<vmem>>, vector<2048x128xf32>
    %get3A_2 = arith.constant 0 : index
    %get3A_3 = arith.constant 0 : index
    %get3A_4 = vector.load %arg7[%get3A_2, %get3A_3] : memref<128x128xf32, #tpu.memory_space<vmem>>, vector<128x128xf32>
    %dot_general3A = arith.constant dense<0.000000e+00> : vector<2048x128xf32>
    %dot_general3A_5 = tpu.matmul %get3A_1, %get3A_4, %dot_general3A {dimension_numbers = #tpu.dot_dimension_numbers<[1], [0], [0], [1], [0, 0, 1, 1], [], []>, transpose_lhs_hint = false} : vector<2048x128xf32>, vector<128x128xf32>, vector<2048x128xf32> -> vector<2048x128xf32>
    %get3A_6 = arith.constant 0 : index
    %get3A_7 = arith.constant 0 : index
    %get3A_8 = vector.load %arg4[%get3A_6, %get3A_7] : memref<2048x128xf32, #tpu.memory_space<vmem>>, vector<2048x128xf32>
    %get3A_9 = arith.constant 0 : index
    %get3A_10 = arith.constant 0 : index
    %get3A_11 = vector.load %arg8[%get3A_9, %get3A_10] : memref<128x128xf32, #tpu.memory_space<vmem>>, vector<128x128xf32>
    %dot_general3A_12 = arith.constant dense<0.000000e+00> : vector<2048x128xf32>
    %dot_general3A_13 = tpu.matmul %get3A_8, %get3A_11, %dot_general3A_12 {dimension_numbers = #tpu.dot_dimension_numbers<[1], [0], [0], [1], [0, 0, 1, 1], [], []>, transpose_lhs_hint = false} : vector<2048x128xf32>, vector<128x128xf32>, vector<2048x128xf32> -> vector<2048x128xf32>
    %add3A = arith.addf %dot_general3A_5, %dot_general3A_13 : vector<2048x128xf32>
    %get3A_14 = arith.constant 0 : index
    %get3A_15 = arith.constant 0 : index
    %get3A_16 = vector.load %arg9[%get3A_14, %get3A_15] : memref<1x128xf32, #tpu.memory_space<vmem>>, vector<1x128xf32>
    %add3A_17 = vector.broadcast %get3A_16 : vector<1x128xf32> to vector<2048x128xf32>
    %add3A_18 = arith.addf %add3A, %add3A_17 : vector<2048x128xf32>
    %max3A = arith.constant 0.000000e+00 : f32
    %max3A_19 = vector.broadcast %max3A : f32 to vector<2048x128xf32>
    %max3A_20 = arith.maximumf %add3A_18, %max3A_19 : vector<2048x128xf32>
    %get3A_21 = arith.constant 0 : index
    %get3A_22 = arith.constant 0 : index
    %get3A_23 = vector.load %arg10[%get3A_21, %get3A_22] : memref<128x64xf32, #tpu.memory_space<vmem>>, vector<128x64xf32>
    %dot_general3A_24 = arith.constant dense<0.000000e+00> : vector<2048x64xf32>
    %dot_general3A_25 = tpu.matmul %max3A_20, %get3A_23, %dot_general3A_24 {dimension_numbers = #tpu.dot_dimension_numbers<[1], [0], [0], [1], [0, 0, 1, 1], [], []>, transpose_lhs_hint = false} : vector<2048x128xf32>, vector<128x64xf32>, vector<2048x64xf32> -> vector<2048x64xf32>
    %get3A_26 = arith.constant 0 : index
    %get3A_27 = arith.constant 0 : index
    %get3A_28 = vector.load %arg11[%get3A_26, %get3A_27] : memref<1x64xf32, #tpu.memory_space<vmem>>, vector<1x64xf32>
    %add3A_29 = vector.broadcast %get3A_28 : vector<1x64xf32> to vector<2048x64xf32>
    %add3A_30 = arith.addf %dot_general3A_25, %add3A_29 : vector<2048x64xf32>
    %max3A_31 = arith.constant 0.000000e+00 : f32
    %max3A_32 = vector.broadcast %max3A_31 : f32 to vector<2048x64xf32>
    %max3A_33 = arith.maximumf %add3A_30, %max3A_32 : vector<2048x64xf32>
    %get3A_34 = arith.constant 0 : index
    %get3A_35 = arith.constant 0 : index
    %get3A_36 = vector.load %arg5[%get3A_34, %get3A_35] : memref<2048x1xf32, #tpu.memory_space<vmem>>, vector<2048x1xf32>
    %get3A_37 = arith.constant 0 : index
    %get3A_38 = arith.constant 0 : index
    %get3A_39 = vector.load %arg6[%get3A_37, %get3A_38] : memref<2048x1xf32, #tpu.memory_space<vmem>>, vector<2048x1xf32>
    %get3A_40 = arith.constant 0 : index
    %get3A_41 = arith.constant 0 : index
    %get3A_42 = vector.load %arg1[%get3A_40, %get3A_41] : memref<2048x128xf32, #tpu.memory_space<vmem>>, vector<2048x128xf32>
    %get3A_43 = arith.constant 0 : index
    %get3A_44 = arith.constant 0 : index
    %get3A_45 = vector.load %arg2[%get3A_43, %get3A_44] : memref<2048x128xf32, #tpu.memory_space<vmem>>, vector<2048x128xf32>
    %slice3A = vector.extract_strided_slice %get3A_42 {offsets = [0, 0], sizes = [2048, 64], strides = [1, 1]} : vector<2048x128xf32> to vector<2048x64xf32>
    %slice3A_46 = vector.extract_strided_slice %get3A_42 {offsets = [0, 64], sizes = [2048, 64], strides = [1, 1]} : vector<2048x128xf32> to vector<2048x64xf32>
    %slice3A_47 = vector.extract_strided_slice %get3A_42 {offsets = [0, 0], sizes = [2048, 64], strides = [1, 1]} : vector<2048x128xf32> to vector<2048x64xf32>
    %sub3A = arith.subf %slice3A_46, %slice3A_47 : vector<2048x64xf32>
    %mul3A = vector.broadcast %get3A_36 : vector<2048x1xf32> to vector<2048x64xf32>
    %mul3A_48 = arith.mulf %mul3A, %sub3A : vector<2048x64xf32>
    %add3A_49 = arith.addf %slice3A, %mul3A_48 : vector<2048x64xf32>
    %slice3A_50 = vector.extract_strided_slice %get3A_45 {offsets = [0, 0], sizes = [2048, 64], strides = [1, 1]} : vector<2048x128xf32> to vector<2048x64xf32>
    %slice3A_51 = vector.extract_strided_slice %get3A_45 {offsets = [0, 64], sizes = [2048, 64], strides = [1, 1]} : vector<2048x128xf32> to vector<2048x64xf32>
    %slice3A_52 = vector.extract_strided_slice %get3A_45 {offsets = [0, 0], sizes = [2048, 64], strides = [1, 1]} : vector<2048x128xf32> to vector<2048x64xf32>
    %sub3A_53 = arith.subf %slice3A_51, %slice3A_52 : vector<2048x64xf32>
    %mul3A_54 = vector.broadcast %get3A_39 : vector<2048x1xf32> to vector<2048x64xf32>
    %mul3A_55 = arith.mulf %mul3A_54, %sub3A_53 : vector<2048x64xf32>
    %add3A_56 = arith.addf %slice3A_50, %mul3A_55 : vector<2048x64xf32>
    %mul3A_57 = arith.mulf %add3A_49, %add3A_56 : vector<2048x64xf32>
    %get3A_58 = arith.constant 0 : index
    %get3A_59 = arith.constant 0 : index
    %get3A_60 = vector.load %arg12[%get3A_58, %get3A_59] : memref<1x64xf32, #tpu.memory_space<vmem>>, vector<1x64xf32>
    %mul3A_61 = vector.broadcast %get3A_60 : vector<1x64xf32> to vector<2048x64xf32>
    %mul3A_62 = arith.mulf %mul3A_57, %mul3A_61 : vector<2048x64xf32>
    %reduce_sum3A = arith.constant dense<0.000000e+00> : vector<2048xf32>
    %reduce_sum3A_63 = vector.multi_reduction <add>, %mul3A_62, %reduce_sum3A [1] : vector<2048x64xf32> to vector<2048xf32>
    %get3A_64 = arith.constant 0 : index
    %get3A_65 = arith.constant 0 : index
    %get3A_66 = vector.load %arg13[%get3A_64, %get3A_65] : memref<1x64xf32, #tpu.memory_space<vmem>>, vector<1x64xf32>
    %mul3A_67 = vector.broadcast %get3A_66 : vector<1x64xf32> to vector<2048x64xf32>
    %mul3A_68 = arith.mulf %max3A_33, %mul3A_67 : vector<2048x64xf32>
    %reduce_sum3A_69 = arith.constant dense<0.000000e+00> : vector<2048xf32>
    %reduce_sum3A_70 = vector.multi_reduction <add>, %mul3A_68, %reduce_sum3A_69 [1] : vector<2048x64xf32> to vector<2048xf32>
    %add3A_71 = arith.addf %reduce_sum3A_63, %reduce_sum3A_70 : vector<2048xf32>
    %get3A_72 = arith.constant 0 : index
    %get3A_73 = vector.load %arg14[%get3A_72] : memref<1xf32, #tpu.memory_space<vmem>>, vector<1xf32>
    %get3A_74 = vector.extract %get3A_73[0] : f32 from vector<1xf32>
    %add3A_75 = vector.broadcast %get3A_74 : f32 to vector<2048xf32>
    %add3A_76 = arith.addf %add3A_71, %add3A_75 : vector<2048xf32>
    %logistic3A = arith.negf %add3A_76 : vector<2048xf32>
    %logistic3A_77 = math.exp %logistic3A : vector<2048xf32>
    %logistic3A_78 = arith.constant 1.000000e+00 : f32
    %logistic3A_79 = vector.broadcast %logistic3A_78 : f32 to vector<2048xf32>
    %logistic3A_80 = arith.addf %logistic3A_79, %logistic3A_77 : vector<2048xf32>
    %logistic3A_81 = arith.divf %logistic3A_79, %logistic3A_80 : vector<2048xf32>
    %swap3A = arith.constant 0 : index
    %swap3A_82 = vector.load %arg15[%swap3A] : memref<2048xf32, #tpu.memory_space<vmem>>, vector<2048xf32>
    tpu.vector_store %arg15[%swap3A], %logistic3A_81 {strides = array<i32>} : memref<2048xf32, #tpu.memory_space<vmem>>, vector<2048xf32>,
    return
  }
  func.func @transform_0(%arg0: i32) -> (i32, i32) {
    %c0_i32 = arith.constant 0 : i32
    %c0_i32_0 = arith.constant 0 : i32
    return %arg0, %c0_i32 : i32, i32
  }
  func.func @transform_1(%arg0: i32) -> (i32, i32) {
    %c0_i32 = arith.constant 0 : i32
    %c0_i32_0 = arith.constant 0 : i32
    return %arg0, %c0_i32 : i32, i32
  }
  func.func @transform_2(%arg0: i32) -> (i32, i32) {
    %c0_i32 = arith.constant 0 : i32
    %c0_i32_0 = arith.constant 0 : i32
    return %arg0, %c0_i32 : i32, i32
  }
  func.func @transform_3(%arg0: i32) -> (i32, i32) {
    %c0_i32 = arith.constant 0 : i32
    %c0_i32_0 = arith.constant 0 : i32
    return %arg0, %c0_i32 : i32, i32
  }
  func.func @transform_4(%arg0: i32) -> (i32, i32) {
    %c0_i32 = arith.constant 0 : i32
    %c0_i32_0 = arith.constant 0 : i32
    return %arg0, %c0_i32 : i32, i32
  }
  func.func @transform_5(%arg0: i32) -> (i32, i32) {
    %c0_i32 = arith.constant 0 : i32
    %c0_i32_0 = arith.constant 0 : i32
    return %arg0, %c0_i32 : i32, i32
  }
  func.func @transform_6(%arg0: i32) -> (i32, i32) {
    %c0_i32 = arith.constant 0 : i32
    %c0_i32_0 = arith.constant 0 : i32
    %c0_i32_1 = arith.constant 0 : i32
    return %c0_i32, %c0_i32_0 : i32, i32
  }
  func.func @transform_7(%arg0: i32) -> (i32, i32) {
    %c0_i32 = arith.constant 0 : i32
    %c0_i32_0 = arith.constant 0 : i32
    %c0_i32_1 = arith.constant 0 : i32
    return %c0_i32, %c0_i32_0 : i32, i32
  }
  func.func @transform_8(%arg0: i32) -> (i32, i32) {
    %c0_i32 = arith.constant 0 : i32
    %c0_i32_0 = arith.constant 0 : i32
    %c0_i32_1 = arith.constant 0 : i32
    return %c0_i32, %c0_i32_0 : i32, i32
  }
  func.func @transform_9(%arg0: i32) -> (i32, i32) {
    %c0_i32 = arith.constant 0 : i32
    %c0_i32_0 = arith.constant 0 : i32
    %c0_i32_1 = arith.constant 0 : i32
    return %c0_i32, %c0_i32_0 : i32, i32
  }
  func.func @transform_10(%arg0: i32) -> (i32, i32) {
    %c0_i32 = arith.constant 0 : i32
    %c0_i32_0 = arith.constant 0 : i32
    %c0_i32_1 = arith.constant 0 : i32
    return %c0_i32, %c0_i32_0 : i32, i32
  }
  func.func @transform_11(%arg0: i32) -> (i32, i32) {
    %c0_i32 = arith.constant 0 : i32
    %c0_i32_0 = arith.constant 0 : i32
    %c0_i32_1 = arith.constant 0 : i32
    return %c0_i32, %c0_i32_0 : i32, i32
  }
  func.func @transform_12(%arg0: i32) -> (i32, i32) {
    %c0_i32 = arith.constant 0 : i32
    %c0_i32_0 = arith.constant 0 : i32
    %c0_i32_1 = arith.constant 0 : i32
    return %c0_i32, %c0_i32_0 : i32, i32
  }
  func.func @transform_13(%arg0: i32) -> i32 {
    %c0_i32 = arith.constant 0 : i32
    %c0_i32_0 = arith.constant 0 : i32
    return %c0_i32 : i32
  }
  func.func @transform_14(%arg0: i32) -> i32 {
    %c0_i32 = arith.constant 0 : i32
    return %arg0 : i32
  }
}

</mosaic_0001>

<sc_bundles>
// kernel: kernel.6.cloned.1.call-start
scs
__scs_entry_jumppad:
0x0: {  	(pc) =	sbr.rel $0x88, $3  }
0x1: {  	(tag) =	ssettag $0x0;
	lr =	simm.s32 $0x1  }
0x2: {  	[smem:$0x3F95] =	sst lr;
	_ =	strace $0xD0000000  }
0x3: {  	_ = 	snop  }
0x4: {  	_ = 	snop  }
0x5: {  	_ = 	snop  }
0x6: {  	_ = 	snop  }
0x7: {  	_ = 	snop  }
__scs_overlays_trampoline_lowered:
0x8: {  	[smem:$0x3FA4] =	sst s0  }
0x9: {  	[smem:$0x3FA5] =	sst s1  }
0xa: {  	[smem:$0x3FA6] =	sst s2  }
0xb: {  	[smem:$0x3FA7] =	sst s3  }
0xc: {  	[smem:$0x3FA8] =	sst s4  }
0xd: {  	[smem:$0x3FA9] =	sst s5  }
0xe: {  	[smem:$0x3FAA] =	sst s6  }
0xf: {  	[smem:$0x3FAB] =	sst s7  }
0x10: {  	[smem:$0x3FAC] =	sst s8  }
0x11: {  	[smem:$0x3FAD] =	sst s9;
	s0 =	simm.s32 @!p0 $0x0  }
0x12: {  	s1 =	sld [smem:$0x3F93];
	s0 =	simm.s32 @p0 $0x1  }
0x13: {  	[smem:$0x3FAE] =	sst s0;
	s0 =	simm.s32 @!p1 $0x0  }
0x14: {  	s2 =	sld [smem:$0x3F92];
	s0 =	simm.s32 @p1 $0x1  }
0x15: {  	[smem:$0x3FAF] =	sst s0;
	s0 =	simm.s32 @!p2 $0x0  }
0x16: {  	s3 =	sld [smem:$0x3FDB];
	s0 =	simm.s32 @p2 $0x1  }
0x17: {  	s4 =	simm.s32 $0x1BF5;
	[smem:$0x3FB1] =	sst s0  }
0x18: {  	s0 =	sld [smem:$0x3F94];
	_ =	swait.ge [sflag:s4], $0x0  }
0x19: {  	s7 =	sld [smem:$0x3F95]  }
0x1a: {  	s8 =	sadd.s32 $0xFFFFE003, lr  }
0x1b: {  	s9 =	sadd.s32 $0xFFFFFEF7, lr;
	s5 =	simm.s32 $0xFFFFFFFF;
	p2 =	slt.u32 s8, $0xFFFFF086  }
0x1c: {  	p1 =	slt.u32 s9, $0xF7A;
	s5 =	simm.s32 @!p2 $0x0  }
0x1d: {  	s5 =	simm.s32 @p1 $0x1;
	p0 =	seq.s32 s7, s2  }
0x1e: {  	s7 =	smul.u32 @!p0 $0xF7A, s2;
	p2 =	seq.s32 @!p0 s5, $0x0  }
0x1f: {  	s9 =	smul.u32 $0xF7A, s1;
	s8 =	simm.s32 @!p0 $0x1BF5;
	p2 =	por !p2, p0  }
0x20: {  	[sflag:s8] =	ssyncset.s32 @!p0 $0xFFFFF086;
	s6 =	sadd.s32 @!p0 s3, s7;
	s7 =	simm.s32 @!p0 $0x108  }
0x21: {  	s3 =	sadd.s32 s3, s9;
	s6 =	sadd.s32 @!p0 $0x88, s6;
	s7 =	simm.s32 @p2 $0x1082  }
0x22: {  	[simem:s7], [sflag:s8] =	dma.local @!p0 [hbm:s6], $0xF7A  }
0x23: {  	s9 =	sor.u32 $0xD0000000, s2;
	s6 =	simm.s32 $0x108;
	_ =	swait.ge @!p0 [sflag:s8], $0x0  }
0x24: {  	s3 =	sadd.s32 $0x88, s3;
	s6 =	simm.s32 @!p1 $0x1082;
	[sflag:s4] =	ssyncset.s32 $0xFFFFF086  }
0x25: {  	[simem:s6], [sflag:s4] =	dma.local [hbm:s3], $0xF7A  }
0x26: {  	[smem:$0x3F95] =	sst s1;
	(tag) =	ssettag s2;
	_ =	strace s9  }
0x27: {  	s1 =	sld [smem:$0x3FA5]  }
0x28: {  	s2 =	sld [smem:$0x3FA6]  }
0x29: {  	s4 =	sld [smem:$0x3FA8]  }
0x2a: {  	p0 =	seq.s32 s5, $0x0;
	s5 =	sld [smem:$0x3FA9]  }
0x2b: {  	s6 =	sld [smem:$0x3FAA]  }
0x2c: {  	s7 =	sld [smem:$0x3FAB]  }
0x2d: {  	s3 =	simm.s32 $0x108;
	s8 =	sld [smem:$0x3FAC]  }
0x2e: {  	s3 =	simm.s32 @!p0 $0x1082;
	s9 =	sld [smem:$0x3FAD]  }
0x2f: {  	lr =	sadd.s32 s0, s3;
	s0 =	sld [smem:$0x3FA4]  }
0x30: {  	s3 =	sld [smem:$0x3FA7]  }
0x31: {  	[smem:$0x3FB0] =	sst s10  }
0x32: {  	s10 =	sld [smem:$0x3FAE];
	_ =	sdelay $0x3  }
0x33: {  	p0 =	seq.s32 s10, $0x1;
	s10 =	sld [smem:$0x3FB0];
	_ =	sdelay $0x3  }
0x34: {  	[smem:$0x3FB0] =	sst s10  }
0x35: {  	s10 =	sld [smem:$0x3FAF];
	_ =	sdelay $0x3  }
0x36: {  	p1 =	seq.s32 s10, $0x1;
	s10 =	sld [smem:$0x3FB0];
	_ =	sdelay $0x3  }
0x37: {  	[smem:$0x3FB0] =	sst s10  }
0x38: {  	s10 =	sld [smem:$0x3FB1]  }
0x39: {  	_ = 	snop;
	(pc) =	sbr.ind lr, $3  }
0x3a: {  	_ = 	snop  }
0x3b: {  	_ = 	snop  }
0x3c: {  	p2 =	seq.s32 s10, $0x1;
	s10 =	sld [smem:$0x3FB0]  }
0x3d: {  	_ =	shalt  }
0x3e: {  	_ =	shalt  }
0x3f: {  	_ =	shalt  }
0x40: {  	_ =	shalt  }
0x41: {  	_ =	shalt  }
0x42: {  	_ =	shalt  }
0x43: {  	_ =	shalt  }
0x44: {  	_ =	shalt  }
0x45: {  	_ =	shalt  }
0x46: {  	_ =	shalt  }
0x47: {  	_ =	shalt  }
0x48: {  	_ =	shalt  }
0x49: {  	_ =	shalt  }
0x4a: {  	_ =	shalt  }
0x4b: {  	_ =	shalt  }
0x4c: {  	_ =	shalt  }
0x4d: {  	_ =	shalt  }
0x4e: {  	_ =	shalt  }
0x4f: {  	_ =	shalt  }
0x50: {  	_ =	shalt  }
0x51: {  	_ =	shalt  }
0x52: {  	_ =	shalt  }
0x53: {  	_ =	shalt  }
0x54: {  	_ =	shalt  }
0x55: {  	_ =	shalt  }
0x56: {  	_ =	shalt  }
0x57: {  	_ =	shalt  }
0x58: {  	_ =	shalt  }
0x59: {  	_ =	shalt  }
0x5a: {  	_ =	shalt  }
0x5b: {  	_ =	shalt  }
0x5c: {  	_ =	shalt  }
0x5d: {  	_ =	shalt  }
0x5e: {  	_ =	shalt  }
0x5f: {  	_ =	shalt  }
0x60: {  	_ =	shalt  }
0x61: {  	_ =	shalt  }
0x62: {  	_ =	shalt  }
0x63: {  	_ =	shalt  }
0x64: {  	_ =	shalt  }
0x65: {  	_ =	shalt  }
0x66: {  	_ =	shalt  }
0x67: {  	_ =	shalt  }
0x68: {  	_ =	shalt  }
0x69: {  	_ =	shalt  }
0x6a: {  	_ =	shalt  }
0x6b: {  	_ =	shalt  }
0x6c: {  	_ =	shalt  }
0x6d: {  	_ =	shalt  }
0x6e: {  	_ =	shalt  }
0x6f: {  	_ =	shalt  }
0x70: {  	_ =	shalt  }
0x71: {  	_ =	shalt  }
0x72: {  	_ =	shalt  }
0x73: {  	_ =	shalt  }
0x74: {  	_ =	shalt  }
0x75: {  	_ =	shalt  }
0x76: {  	_ =	shalt  }
0x77: {  	_ =	shalt  }
0x78: {  	_ =	shalt  }
0x79: {  	_ =	shalt  }
0x7a: {  	_ =	shalt  }
0x7b: {  	_ =	shalt  }
0x7c: {  	_ =	shalt  }
0x7d: {  	_ =	shalt  }
0x7e: {  	_ =	shalt  }
0x7f: {  	_ =	shalt  }
0x80: {  	_ =	shalt  }
0x81: {  	_ =	shalt  }
0x82: {  	_ =	shalt  }
0x83: {  	_ =	shalt  }
0x84: {  	_ =	shalt  }
0x85: {  	_ =	shalt  }
0x86: {  	_ =	shalt  }
0x87: {  	_ =	shalt  }
.Lfunc_end0:
.L_simem_size_0:
called_computation_lowered:
.L_overlay_start_0:
0x88: {  	s2 =	sld [smem:$0x3FD9]  }
0x89: {  	s3 =	sld [smem:$0x3FFE];
	_ =	sdelay $0x1  }
0x8a: {  	s1 =	srdreg.scid  }
0x8b: {  	s0 =	sand.u32 $0x1, s1  }
0x8c: {  	s17 =	sshll.u32 s0, $0xA;
	s2 =	sadd.s32 s3, s2  }
0x8d: {  	s2 =	sadd.s32 s2, s17  }
0x8e: {  	[smem:$0x3FBC] =	sst s2  }
0x8f: {  	_ = 	snop  }
0x90: {  	s2 =	sld [smem:$0x3FC9]  }
0x91: {  	s18 =	sld [smem:$0x3FC8]  }
0x92: {  	s4 =	sld [smem:$0x3FC5]  }
0x93: {  	s5 =	sld [smem:$0x3FC4]  }
0x94: {  	s6 =	sld [smem:$0x3FD0];
	(tm) =	ssettm $0x1  }
0x95: {  	s7 =	sld [smem:$0x3FFB];
	_ =	sdelay $0x3  }
0x96: {  	_ =	strace s7  }
0x97: {  	s7 =	sld [smem:$0x3FFC];
	_ =	sdelay $0x3  }
0x98: {  	_ =	strace s7  }
0x99: {  	s7 =	sld [smem:$0x3FFD];
	_ =	sdelay $0x3  }
0x9a: {  	_ =	strace s7  }
0x9b: {  	_ =	strace $0x8FFFFFFF  }
0x9c: {  	s19 =	sld [smem:$0x3FDB];
	_ =	sdelay $0x1  }
0x9d: {  	s8 =	simm.s32 $_scs_section_size  }
0x9e: {  	s9 =	simm.s32 $_size__tile_overlayer_lowered;
	s10 =	simm.s32 $_tile_overlayer_lowered  }
0x9f: {  	s22 =	simm.s32 $0x1BFF;
	s21 =	sshll.u32 s10, $0x1;
	s7 =	sadd.s32 s8, s19  }
0xa0: {  	s11 =	simm.s32 $0x0;
	s20 =	sshll.u32 s9, $0x1;
	s9 =	sadd.s32 s21, s7  }
0xa1: {  	[timem:s11], [sflag:s22] =	dma.local [hbm:s9], s20  }
0xa2: {  	_ =	swait.ge [sflag:s22], s20  }
0xa3: {  	s8 =	ssub.s32 $0x0, s20;
	[sflag:s22] =	ssyncset.done $0x0  }
0xa4: {  	[sflag:s22] =	ssyncadd.s32 s8;
	_ =	sdelay $0x1  }
0xa5: {  	s23 =	simm.s32 $0x1B8B  }
0xa6: {  	_ =	swait.ge [sflag:s23], $0x1  }
0xa7: {  	[sflag:s23] =	ssyncset.done $0x0  }
0xa8: {  	s25 =	simm.s32 $0x1B8E;
	s24 =	sld [smem:$0x3FFE];
	[sflag:s23] =	ssyncadd.s32 $0xFFFFFFFF  }
0xa9: {  	s26 =	simm.s32 $execute0_lowered;
	[smem:$0x3FD2] =	sst s25  }
0xaa: {  	s9 =	sshll.u32 s26, $0x1;
	_ =	strace $0x80000046;
	[dreg:$0x1] =	wrdreg $0xFFFFFFFF  }
0xab: {  	s28 =	simm.s32 $_size_execute0_lowered;
	s7 =	sadd.s32 s7, s9;
	[dreg:$0x0] =	wrdreg $0x0  }
0xac: {  	s9 =	sshll.u32 s28, $0x1;
	[dreg:$0x2] =	wrdreg s7  }
0xad: {  	[dreg:$0x3] =	wrdreg s9  }
0xae: {  	[dreg:$0x4] =	wrdreg $0xC0  }
0xaf: {  	_ =	task [dreg:s11], $0x5FFFF  }
0xb0: {  	[dreg:$0x1] =	wrdreg $0xFFFFFFFF  }
0xb1: {  	[dreg:$0x0] =	wrdreg $0x60  }
0xb2: {  	[dreg:$0x2] =	wrdreg s24  }
0xb3: {  	[dreg:$0x3] =	wrdreg s4  }
0xb4: {  	[dreg:$0x4] =	wrdreg s5  }
0xb5: {  	[dreg:$0x5] =	wrdreg s6  }
0xb6: {  	[dreg:$0x6] =	wrdreg s2  }
0xb7: {  	[dreg:$0x7] =	wrdreg s18  }
0xb8: {  	[dreg:$0x8] =	wrdreg $0x9  }
0xb9: {  	_ =	task.clear_ibuf [dreg:s11], $0x9FFFF;
	_ =	strace $0x90000046  }
0xba: {  	s29 =	simm.s32 $0x9;
	_ =	strace $0x80000048  }
0xbb: {  	_ =	swait.ge [sflag:s29], $0x1  }
0xbc: {  	[sflag:s29] =	ssyncadd.s32 $0xFFFFFFFF  }
0xbd: {  	_ =	strace $0x90000048  }
0xbe: {  	_ =	sfence  }
0xbf: {  	s30 =	sld [smem:$0x0];
	_ =	sdelay $0x2  }
0xc0: {  	s31 =	sshll.u32 s1, $0xD;
	s1 =	sshrl.u32 s1, $0x2  }
0xc1: {  	s3 =	sand.u32 $0x4000, s31;
	s1 =	sadd.s32 s1, s30  }
0xc2: {  	s0 =	sor.u32 s3, s0;
	s1 =	sshll.u32 s1, $0x11  }
0xc3: {  	s0 =	sor.u32 s1, s0  }
0xc4: {  	s0 =	sadd.s32 $0x8F2B, s0  }
0xc5: {  	[sflag:s0] =	ssyncadd.remote.s32 $0x1  }
0xc6: {  	_ =	sfence.sel $0xFFFF  }
0xc7: {  	[dreg:$0x0] =	wrdreg $0xFFFFFFFF;
	(pc) =	sbr.abs _section_cstart, $3  }
0xc8: {  	[dreg:$0x1] =	wrdreg $0xFFFFFFFF  }
0xc9: {  	_ =	task.clear_ibuf [dreg:s11], $0x2FFFF;
	_ =	strace $0x9FFFFFFF  }
0xca: {  	(tm) =	ssettm $0x7FFFFFFF  }
0xcb: {  	_ =	shalt  }
tec
execute0_lowered:
.L_overlay_start_1:
0x0: {  	(tag) =	ssettag $0x1  }
0x1: {  	s29 =	rddreg [dreg:$0x0];
	s3 =	srdreg.scid  }
0x2: {  	s1 =	rddreg [dreg:$0x1];
	s0 =	stileid.u32;
	s30 =	sand.u32 $0x1, s3  }
0x3: {  	s2 =	rddreg [dreg:$0x2];
	s4 =	sshll.u32 s0, $0xA;
	s5 =	sshll.u32 s30, $0x9  }
0x4: {  	s6 =	rddreg [dreg:$0x3];
	s17 =	sor.u32 s5, s4  }
0x5: {  	s26 =	rddreg [dreg:$0x4];
	s11 =	sshrl.u32 s17, $0x3  }
0x6: {  	s10 =	rddreg [dreg:$0x5];
	s4 =	simm.s32 $0x0;
	s0 =	sadd.s32 s11, s29  }
0x7: {  	[smem:$0x7FF] =	sst s4;
	s5 =	sadd.s32 $0x2600, s0  }
0x8: {  	_ =	strace $0x80000047;
	[dreg:$0x7] =	wrdreg s5  }
0x9: {  	s5 =	simm.s32 $0x3;
	s7 =	rddreg [dreg:$0x7]  }
0xa: {  	[tilespmem:s4], [sflag:$0x3] =	stream.linear.gather [hbm4b:s7+s4], $0x200, $0x38;
	[tilespmem:$0x10800] =	vst v63  }
0xb: {  	_ =	swait.ge [sflag:s5], $0x200  }
0xc: {  	[sflag:s5] =	ssyncset.done $0x0  }
0xd: {  	s6 =	sadd.s32 s6, s11;
	s7 =	simm.s32 $0x200;
	[sflag:s5] =	ssyncadd.s32 $0xFFFFFE00  }
0xe: {  	[tilespmem:s7], [sflag:$0x3] =	stream.linear.gather [hbm4b:s6+s4], $0x200, $0x38;
	[tilespmem:$0x10800] =	vst v63  }
0xf: {  	_ =	swait.ge [sflag:s5], $0x200  }
0x10: {  	[sflag:s5] =	ssyncset.done $0x0  }
0x11: {  	s9 =	simm.s32 $0x400;
	s8 =	sadd.s32 s26, s11;
	[sflag:s5] =	ssyncadd.s32 $0xFFFFFE00  }
0x12: {  	[tilespmem:s9], [sflag:$0x3] =	stream.linear.gather [hbm4b:s8+s4], $0x200, $0x38;
	[tilespmem:$0x10800] =	vst v63  }
0x13: {  	_ =	swait.ge [sflag:s5], $0x200  }
0x14: {  	[sflag:s5] =	ssyncset.done $0x0  }
0x15: {  	s10 =	sadd.s32 s10, s11;
	s11 =	simm.s32 $0x600;
	[sflag:s5] =	ssyncadd.s32 $0xFFFFFE00  }
0x16: {  	[tilespmem:s11], [sflag:$0x3] =	stream.linear.gather [hbm4b:s10+s4], $0x200, $0x38;
	[tilespmem:$0x10800] =	vst v63  }
0x17: {  	_ =	swait.ge [sflag:s5], $0x200  }
0x18: {  	s13 =	simm.s32 $0x100;
	[sflag:s5] =	ssyncset.done $0x0  }
0x19: {  	s14 =	simm.s32 $0x800;
	s12 =	sadd.s32 $0xF44A00, s29;
	[sflag:s5] =	ssyncadd.s32 $0xFFFFFE00  }
0x1a: {  	[tilespmem:s14], [sflag:$0x1] =	stream.indirect.gather [hbm4b:s12+s13], $0x80, s4, s13, $0xb8;
	[tilespmem:$0x10800] =	vst v63  }
0x1b: {  	s15 =	simm.s32 $0x8800;
	s16 =	simm.s32 $0x1  }
0x1c: {  	[tilespmem:s15], [sflag:$0x2] =	stream.indirect.gather [hbm4b:s12+s13], $0x80, s13, s13, $0xb8;
	[tilespmem:$0x10800] =	vst v63  }
0x1d: {  	_ =	swait.ge [sflag:s16], $0x8000  }
0x1e: {  	s20 =	sadd.s32 $0x2E00, s29;
	s31 =	sshll.u32 s17, $0x4;
	[sflag:s16] =	ssyncset.done $0x0  }
0x1f: {  	s17 =	sadd.s32 s20, s31;
	[sflag:s16] =	ssyncadd.s32 $0xFFFF8000  }
0x20: {  	[hbm4b:s17+s4] =	stream.linear.scatter [tilespmem:s14], [sflag:$0x3], $0x8000, $0x38;
	[tilespmem:$0x10800] =	vst v63  }
0x21: {  	_ =	swait.ge [sflag:s5], $0x8000  }
0x22: {  	[sflag:s5] =	ssyncset.done $0x0  }
0x23: {  	s19 =	simm.s32 $0x2;
	s18 =	sadd.s32 $0x189000, s29;
	[sflag:s5] =	ssyncadd.s32 $0xFFFF8000  }
0x24: {  	[tilespmem:s14], [sflag:$0x1] =	stream.indirect.gather [hbm4b:s18+s13], $0x80, s7, s13, $0xb8;
	[tilespmem:$0x10800] =	vst v63  }
0x25: {  	_ =	swait.ge [sflag:s19], $0x8000  }
0x26: {  	s3 =	sor.u32 $0x1000, s31;
	[sflag:s19] =	ssyncset.done $0x0  }
0x27: {  	s20 =	sadd.s32 s20, s3;
	[sflag:s19] =	ssyncadd.s32 $0xFFFF8000  }
0x28: {  	[hbm4b:s20+s4] =	stream.linear.scatter [tilespmem:s15], [sflag:$0x3], $0x8000, $0x38;
	[tilespmem:$0x10800] =	vst v63  }
0x29: {  	_ =	swait.ge [sflag:s5], $0x8000  }
0x2a: {  	[sflag:s5] =	ssyncset.done $0x0  }
0x2b: {  	s21 =	simm.s32 $0x300;
	[sflag:s5] =	ssyncadd.s32 $0xFFFF8000  }
0x2c: {  	[tilespmem:s15], [sflag:$0x2] =	stream.indirect.gather [hbm4b:s18+s13], $0x80, s21, s13, $0xb8;
	[tilespmem:$0x10800] =	vst v63  }
0x2d: {  	_ =	swait.ge [sflag:s16], $0x8000  }
0x2e: {  	s23 =	sadd.s32 $0x42E00, s29;
	[sflag:s16] =	ssyncset.done $0x0  }
0x2f: {  	s22 =	sadd.s32 s23, s31;
	[sflag:s16] =	ssyncadd.s32 $0xFFFF8000  }
0x30: {  	[hbm4b:s22+s4] =	stream.linear.scatter [tilespmem:s14], [sflag:$0x3], $0x8000, $0x38;
	[tilespmem:$0x10800] =	vst v63  }
0x31: {  	_ =	swait.ge [sflag:s5], $0x8000  }
0x32: {  	[sflag:s5] =	ssyncset.done $0x0  }
0x33: {  	[sflag:s5] =	ssyncadd.s32 $0xFFFF8000  }
0x34: {  	[tilespmem:s14], [sflag:$0x1] =	stream.indirect.gather [hbm4b:s1+s13], $0x80, s9, s13, $0xb8;
	[tilespmem:$0x10800] =	vst v63  }
0x35: {  	_ =	swait.ge [sflag:s19], $0x8000  }
0x36: {  	[sflag:s19] =	ssyncset.done $0x0  }
0x37: {  	s23 =	sadd.s32 s23, s3;
	[sflag:s19] =	ssyncadd.s32 $0xFFFF8000  }
0x38: {  	[hbm4b:s23+s4] =	stream.linear.scatter [tilespmem:s15], [sflag:$0x3], $0x8000, $0x38;
	[tilespmem:$0x10800] =	vst v63  }
0x39: {  	_ =	swait.ge [sflag:s5], $0x8000  }
0x3a: {  	[sflag:s5] =	ssyncset.done $0x0  }
0x3b: {  	s24 =	simm.s32 $0x500;
	[sflag:s5] =	ssyncadd.s32 $0xFFFF8000  }
0x3c: {  	[tilespmem:s15], [sflag:$0x2] =	stream.indirect.gather [hbm4b:s1+s13], $0x80, s24, s13, $0xb8;
	[tilespmem:$0x10800] =	vst v63  }
0x3d: {  	_ =	swait.ge [sflag:s16], $0x8000  }
0x3e: {  	s26 =	sadd.s32 $0x82E00, s29;
	[sflag:s16] =	ssyncset.done $0x0  }
0x3f: {  	s25 =	sadd.s32 s26, s31;
	[sflag:s16] =	ssyncadd.s32 $0xFFFF8000  }
0x40: {  	[hbm4b:s25+s4] =	stream.linear.scatter [tilespmem:s14], [sflag:$0x3], $0x8000, $0x38;
	[tilespmem:$0x10800] =	vst v63  }
0x41: {  	_ =	swait.ge [sflag:s5], $0x8000  }
0x42: {  	[sflag:s5] =	ssyncset.done $0x0  }
0x43: {  	[sflag:s5] =	ssyncadd.s32 $0xFFFF8000  }
0x44: {  	[tilespmem:s14], [sflag:$0x1] =	stream.indirect.gather [hbm4b:s2+s13], $0x80, s11, s13, $0xb8;
	[tilespmem:$0x10800] =	vst v63  }
0x45: {  	_ =	swait.ge [sflag:s19], $0x8000  }
0x46: {  	[sflag:s19] =	ssyncset.done $0x0  }
0x47: {  	s26 =	sadd.s32 s26, s3;
	[sflag:s19] =	ssyncadd.s32 $0xFFFF8000  }
0x48: {  	[hbm4b:s26+s4] =	stream.linear.scatter [tilespmem:s15], [sflag:$0x3], $0x8000, $0x38;
	[tilespmem:$0x10800] =	vst v63  }
0x49: {  	_ =	swait.ge [sflag:s5], $0x8000  }
0x4a: {  	[sflag:s5] =	ssyncset.done $0x0  }
0x4b: {  	s28 =	simm.s32 $0x700;
	[sflag:s5] =	ssyncadd.s32 $0xFFFF8000  }
0x4c: {  	[tilespmem:s15], [sflag:$0x2] =	stream.indirect.gather [hbm4b:s2+s13], $0x80, s28, s13, $0xb8;
	[tilespmem:$0x10800] =	vst v63  }
0x4d: {  	_ =	swait.ge [sflag:s16], $0x8000  }
0x4e: {  	s30 =	ssub.s32 $0x2, s30;
	s0 =	sadd.s32 $0xC2E00, s29;
	[sflag:s16] =	ssyncset.done $0x0  }
0x4f: {  	s29 =	sadd.s32 s0, s31;
	s31 =	sshrl.u32 s30, $0x1;
	[sflag:s16] =	ssyncadd.s32 $0xFFFF8000  }
0x50: {  	[hbm4b:s29+s4] =	stream.linear.scatter [tilespmem:s14], [sflag:$0x3], $0x8000, $0x38;
	[tilespmem:$0x10800] =	vst v63  }
0x51: {  	s31 =	ssub.s32 s30, s31;
	_ =	swait.ge [sflag:s5], $0x8000  }
0x52: {  	s30 =	sadd.s32 s0, s3;
	s3 =	smax.u32 s31, $0x1;
	[sflag:s5] =	ssyncset.done $0x0  }
0x53: {  	p0 =	sne.s32 s3, $0x1;
	[sflag:s5] =	ssyncadd.s32 $0xFFFF8000  }
.Ltmp0:
0x54: {  	_ =	swait.ge [sflag:s19], $0x8000;
	(pc) =	sbr.rel @!p0 .LBB2_2-.Ltmp0, $4  }
0x55: {  	[sflag:s19] =	ssyncset.done $0x0  }
0x56: {  	[sflag:s19] =	ssyncadd.s32 $0xFFFF8000  }
0x57: {  	[hbm4b:s30+s4] =	stream.linear.scatter [tilespmem:s15], [sflag:$0x3], $0x8000, $0x38;
	[tilespmem:$0x10800] =	vst v63  }
0x58: {  	s31 =	sadd.s32 $0xFFFFFFFF, s3;
	_ =	swait.ge [sflag:s5], $0x8000  }
.LBB2_1:
0x59: {  	[sflag:s5] =	ssyncset.done $0x0  }
0x5a: {  	s0 =	rddreg [dreg:$0x7];
	[sflag:s5] =	ssyncadd.s32 $0xFFFF8000  }
0x5b: {  	[tilespmem:s4], [sflag:$0x3] =	stream.linear.gather [hbm4b:s0+s4], $0x200, $0x38;
	[tilespmem:$0x10800] =	vst v63  }
0x5c: {  	_ =	swait.ge [sflag:s5], $0x200  }
0x5d: {  	[sflag:s5] =	ssyncset.done $0x0  }
0x5e: {  	[sflag:s5] =	ssyncadd.s32 $0xFFFFFE00  }
0x5f: {  	[tilespmem:s7], [sflag:$0x3] =	stream.linear.gather [hbm4b:s6+s4], $0x200, $0x38;
	[tilespmem:$0x10800] =	vst v63  }
0x60: {  	_ =	swait.ge [sflag:s5], $0x200  }
0x61: {  	[sflag:s5] =	ssyncset.done $0x0  }
0x62: {  	[sflag:s5] =	ssyncadd.s32 $0xFFFFFE00  }
0x63: {  	[tilespmem:s9], [sflag:$0x3] =	stream.linear.gather [hbm4b:s8+s4], $0x200, $0x38;
	[tilespmem:$0x10800] =	vst v63  }
0x64: {  	_ =	swait.ge [sflag:s5], $0x200  }
0x65: {  	[sflag:s5] =	ssyncset.done $0x0  }
0x66: {  	[sflag:s5] =	ssyncadd.s32 $0xFFFFFE00  }
0x67: {  	[tilespmem:s11], [sflag:$0x3] =	stream.linear.gather [hbm4b:s10+s4], $0x200, $0x38;
	[tilespmem:$0x10800] =	vst v63  }
0x68: {  	_ =	swait.ge [sflag:s5], $0x200  }
0x69: {  	[sflag:s5] =	ssyncset.done $0x0  }
0x6a: {  	[sflag:s5] =	ssyncadd.s32 $0xFFFFFE00  }
0x6b: {  	[tilespmem:s14], [sflag:$0x1] =	stream.indirect.gather [hbm4b:s12+s13], $0x80, s4, s13, $0xb8;
	[tilespmem:$0x10800] =	vst v63  }
0x6c: {  	_ = 	snop  }
0x6d: {  	[tilespmem:s15], [sflag:$0x2] =	stream.indirect.gather [hbm4b:s12+s13], $0x80, s13, s13, $0xb8;
	[tilespmem:$0x10800] =	vst v63  }
0x6e: {  	_ =	swait.ge [sflag:s16], $0x8000  }
0x6f: {  	[sflag:s16] =	ssyncset.done $0x0  }
0x70: {  	[sflag:s16] =	ssyncadd.s32 $0xFFFF8000  }
0x71: {  	[hbm4b:s17+s4] =	stream.linear.scatter [tilespmem:s14], [sflag:$0x3], $0x8000, $0x38;
	[tilespmem:$0x10800] =	vst v63  }
0x72: {  	_ =	swait.ge [sflag:s5], $0x8000  }
0x73: {  	[sflag:s5] =	ssyncset.done $0x0  }
0x74: {  	[sflag:s5] =	ssyncadd.s32 $0xFFFF8000  }
0x75: {  	[tilespmem:s14], [sflag:$0x1] =	stream.indirect.gather [hbm4b:s18+s13], $0x80, s7, s13, $0xb8;
	[tilespmem:$0x10800] =	vst v63  }
0x76: {  	_ =	swait.ge [sflag:s19], $0x8000  }
0x77: {  	[sflag:s19] =	ssyncset.done $0x0  }
0x78: {  	[sflag:s19] =	ssyncadd.s32 $0xFFFF8000  }
0x79: {  	[hbm4b:s20+s4] =	stream.linear.scatter [tilespmem:s15], [sflag:$0x3], $0x8000, $0x38;
	[tilespmem:$0x10800] =	vst v63  }
0x7a: {  	_ =	swait.ge [sflag:s5], $0x8000  }
0x7b: {  	[sflag:s5] =	ssyncset.done $0x0  }
0x7c: {  	[sflag:s5] =	ssyncadd.s32 $0xFFFF8000  }
0x7d: {  	[tilespmem:s15], [sflag:$0x2] =	stream.indirect.gather [hbm4b:s18+s13], $0x80, s21, s13, $0xb8;
	[tilespmem:$0x10800] =	vst v63  }
0x7e: {  	_ =	swait.ge [sflag:s16], $0x8000  }
0x7f: {  	[sflag:s16] =	ssyncset.done $0x0  }
0x80: {  	[sflag:s16] =	ssyncadd.s32 $0xFFFF8000  }
0x81: {  	[hbm4b:s22+s4] =	stream.linear.scatter [tilespmem:s14], [sflag:$0x3], $0x8000, $0x38;
	[tilespmem:$0x10800] =	vst v63  }
0x82: {  	_ =	swait.ge [sflag:s5], $0x8000  }
0x83: {  	[sflag:s5] =	ssyncset.done $0x0  }
0x84: {  	[sflag:s5] =	ssyncadd.s32 $0xFFFF8000  }
0x85: {  	[tilespmem:s14], [sflag:$0x1] =	stream.indirect.gather [hbm4b:s1+s13], $0x80, s9, s13, $0xb8;
	[tilespmem:$0x10800] =	vst v63  }
0x86: {  	_ =	swait.ge [sflag:s19], $0x8000  }
0x87: {  	[sflag:s19] =	ssyncset.done $0x0  }
0x88: {  	[sflag:s19] =	ssyncadd.s32 $0xFFFF8000  }
0x89: {  	[hbm4b:s23+s4] =	stream.linear.scatter [tilespmem:s15], [sflag:$0x3], $0x8000, $0x38;
	[tilespmem:$0x10800] =	vst v63  }
0x8a: {  	_ =	swait.ge [sflag:s5], $0x8000  }
0x8b: {  	[sflag:s5] =	ssyncset.done $0x0  }
0x8c: {  	[sflag:s5] =	ssyncadd.s32 $0xFFFF8000  }
0x8d: {  	[tilespmem:s15], [sflag:$0x2] =	stream.indirect.gather [hbm4b:s1+s13], $0x80, s24, s13, $0xb8;
	[tilespmem:$0x10800] =	vst v63  }
0x8e: {  	_ =	swait.ge [sflag:s16], $0x8000  }
0x8f: {  	[sflag:s16] =	ssyncset.done $0x0  }
0x90: {  	[sflag:s16] =	ssyncadd.s32 $0xFFFF8000  }
0x91: {  	[hbm4b:s25+s4] =	stream.linear.scatter [tilespmem:s14], [sflag:$0x3], $0x8000, $0x38;
	[tilespmem:$0x10800] =	vst v63  }
0x92: {  	_ =	swait.ge [sflag:s5], $0x8000  }
0x93: {  	[sflag:s5] =	ssyncset.done $0x0  }
0x94: {  	[sflag:s5] =	ssyncadd.s32 $0xFFFF8000  }
0x95: {  	[tilespmem:s14], [sflag:$0x1] =	stream.indirect.gather [hbm4b:s2+s13], $0x80, s11, s13, $0xb8;
	[tilespmem:$0x10800] =	vst v63  }
0x96: {  	_ =	swait.ge [sflag:s19], $0x8000  }
0x97: {  	[sflag:s19] =	ssyncset.done $0x0  }
0x98: {  	[sflag:s19] =	ssyncadd.s32 $0xFFFF8000  }
0x99: {  	[hbm4b:s26+s4] =	stream.linear.scatter [tilespmem:s15], [sflag:$0x3], $0x8000, $0x38;
	[tilespmem:$0x10800] =	vst v63  }
0x9a: {  	_ =	swait.ge [sflag:s5], $0x8000  }
0x9b: {  	[sflag:s5] =	ssyncset.done $0x0  }
0x9c: {  	[sflag:s5] =	ssyncadd.s32 $0xFFFF8000  }
0x9d: {  	[tilespmem:s15], [sflag:$0x2] =	stream.indirect.gather [hbm4b:s2+s13], $0x80, s28, s13, $0xb8;
	[tilespmem:$0x10800] =	vst v63  }
0x9e: {  	_ =	swait.ge [sflag:s16], $0x8000  }
0x9f: {  	[sflag:s16] =	ssyncset.done $0x0  }
0xa0: {  	[sflag:s16] =	ssyncadd.s32 $0xFFFF8000  }
0xa1: {  	[hbm4b:s29+s4] =	stream.linear.scatter [tilespmem:s14], [sflag:$0x3], $0x8000, $0x38;
	[tilespmem:$0x10800] =	vst v63  }
0xa2: {  	_ =	swait.ge [sflag:s5], $0x8000  }
0xa3: {  	[sflag:s5] =	ssyncset.done $0x0  }
0xa4: {  	p0 =	sne.s32 s31, $0x1;
	[sflag:s5] =	ssyncadd.s32 $0xFFFF8000  }
.Ltmp1:
0xa5: {  	_ =	swait.ge [sflag:s19], $0x8000;
	(pc) =	sbr.rel @p0 .LBB2_1-.Ltmp1, $4  }
0xa6: {  	[sflag:s19] =	ssyncset.done $0x0  }
0xa7: {  	[sflag:s19] =	ssyncadd.s32 $0xFFFF8000  }
0xa8: {  	[hbm4b:s30+s4] =	stream.linear.scatter [tilespmem:s15], [sflag:$0x3], $0x8000, $0x38;
	[tilespmem:$0x10800] =	vst v63  }
0xa9: {  	s31 =	sadd.s32 $0xFFFFFFFF, s31;
	_ =	swait.ge [sflag:s5], $0x8000  }
.LBB2_2:
0xaa: {  	[sflag:s5] =	ssyncset.done $0x0  }
0xab: {  	[sflag:s5] =	ssyncadd.s32 $0xFFFF8000  }
0xac: {  	_ =	sfence.sel $0x180000  }
0xad: {  	[bflag:$0x0] =	sbarrier.arrive $0xFFFF  }
0xae: {  	_ =	strace $0x90000047  }
0xaf: {  	s0 =	stileid.u32;
	[bflag:$0x2] =	sbarrier.arrive $0xFFFF  }
0xb0: {  	p0 =	sne.s32 s0, $0x0;
	s0 =	rddreg [dreg:$0x6]  }
0xb1: {  	s0 =	sadd.s32 @!p0 $0x100000, s0  }
0xb2: {  	[sflag:s0] =	ssyncadd.tile.s32 @!p0 $0x1;
	_ =	shalt  }
.Lfunc_end2:
_tile_overlayer_lowered:
.L_overlay_start_2:
0xb3: {  	(tag) =	ssettag $0x2  }
0xb4: {  	s0 =	rddreg [dreg:$0x0];
	s2 =	stileid.u32  }
0xb5: {  	s1 =	rddreg [dreg:$0x1];
	p0 =	sne.s32 s2, $0x0  }
0xb6: {  	s3 =	rddreg [dreg:$0x2];
	[bflag:$0x3] =	sbarrier.arrive $0xFFFF;
	s2 =	simm.s32 @!p0 $0x1C03  }
0xb7: {  	[timem:s3], [sflag:s2] =	dma.local @!p0 [hbm:s0], s1  }
0xb8: {  	s0 =	simm.s32 @!p0 $0x3  }
0xb9: {  	_ =	swait.ge @!p0 [sflag:s0], s1  }
0xba: {  	s1 =	ssub.s32 @!p0 $0x0, s1;
	[sflag:s0] =	ssyncset.done @!p0 $0x0  }
0xbb: {  	[sflag:s0] =	ssyncadd.s32 @!p0 s1  }
0xbc: {  	[bflag:$0x3] =	sbarrier.arrive $0xFFFF  }
0xbd: {  	_ =	shalt  }

</sc_bundles>
